<compile_context>
chip_gen: v7x
topology: tpu7x:2x2x1
jax: 0.10.2.dev20260603
libtpu: 0.0.44.dev20260713+nightly
codegen_flags: <defaults>
</compile_context>

<pallas_src>
import jax
import jax.numpy as jnp
from jax import lax
from jax.experimental import pallas as pl
from jax.experimental.pallas import tpu as pltpu
from jax.experimental.pallas import tpu_sc as plsc

_NC = 2
_NS = 16
_K = 80
_Z = 48


def _mesh():
    return plsc.VectorSubcoreMesh(core_axis_name="c", subcore_axis_name="s",
                                  num_cores=_NC)


def _agg_sc(x, src, dst, zf):
    N, D = x.shape
    E = src.shape[0]
    epw = E // (_NC * _NS)
    ch = epw // _K
    rpt = (N // _NS) & ~7
    tail = N - rpt * _NS
    zloops = rpt // _Z

    def body(x_hbm, src_hbm, dst_hbm, zf_hbm, agg_out, sidx, didx, rows,
             agg_sp, sem):
        c = lax.axis_index("c")
        s = lax.axis_index("s")
        w = c * _NS + s
        rbase = s * rpt
        pltpu.sync_copy(zf_hbm, rows.at[pl.ds(0, _Z)])

        def zero(j, carry):
            pltpu.sync_copy(rows.at[pl.ds(0, _Z)],
                            agg_sp.at[pl.ds(rbase + j * _Z, _Z)])
            return carry

        lax.fori_loop(0, zloops, zero, 0)
        if tail:
            @pl.when(s == _NS - 1)
            def _():
                pltpu.sync_copy(rows.at[pl.ds(0, tail)],
                                agg_sp.at[pl.ds(rpt * _NS, tail)])
        plsc.subcore_barrier()

        ebase = w * epw

        def chunk(i, carry):
            off = ebase + i * _K
            pltpu.sync_copy(src_hbm.at[pl.ds(off, _K)], sidx)
            pltpu.sync_copy(dst_hbm.at[pl.ds(off, _K)], didx)
            pltpu.async_copy(x_hbm.at[sidx], rows, sem).wait()
            pltpu.sync_copy(rows, agg_sp.at[didx], add=True)
            return carry

        lax.fori_loop(0, ch, chunk, 0)
        plsc.subcore_barrier()

        def copy_out(j, carry):
            pltpu.sync_copy(agg_sp.at[pl.ds(rbase + j * _Z, _Z)],
                            rows.at[pl.ds(0, _Z)])
            pltpu.sync_copy(rows.at[pl.ds(0, _Z)],
                            agg_out.at[c, pl.ds(rbase + j * _Z, _Z)])
            return carry

        lax.fori_loop(0, zloops, copy_out, 0)
        if tail:
            @pl.when(s == _NS - 1)
            def _():
                pltpu.sync_copy(agg_sp.at[pl.ds(rpt * _NS, tail)],
                                rows.at[pl.ds(0, tail)])
                pltpu.sync_copy(rows.at[pl.ds(0, tail)],
                                agg_out.at[c, pl.ds(rpt * _NS, tail)])

    fn = pl.kernel(
        body,
        out_type=(jax.ShapeDtypeStruct((_NC, N, D), jnp.float32),),
        mesh=_mesh(),
        scratch_types=[
            pltpu.VMEM((_K,), jnp.int32),
            pltpu.VMEM((_K,), jnp.int32),
            pltpu.VMEM((_K, D), jnp.float32),
            pltpu.VMEM_SHARED((N, D), jnp.float32),
            pltpu.SemaphoreType.DMA,
        ],
    )
    (o,) = fn(x, src, dst, zf)
    return o


def _cnt_sc(dst, zc, ones, N, D):
    E = dst.shape[0]
    epw = E // (_NC * _NS)
    ch = epw // _K
    rpt = (N // _NS) & ~7
    tail = N - rpt * _NS
    zloops = rpt // _Z

    def body(dst_hbm, zc_hbm, ones_hbm, cnt_out, didx, ones_v, cbuf,
             cnt_sp, sem):
        c = lax.axis_index("c")
        s = lax.axis_index("s")
        w = c * _NS + s
        rbase = s * rpt
        pltpu.sync_copy(zc_hbm, cbuf)

        def zero(j, carry):
            pltpu.sync_copy(cbuf.at[pl.ds(0, _Z)],
                            cnt_sp.at[pl.ds(rbase + j * _Z, _Z)])
            return carry

        lax.fori_loop(0, zloops, zero, 0)
        if tail:
            @pl.when(s == _NS - 1)
            def _():
                pltpu.sync_copy(cbuf.at[pl.ds(0, tail)],
                                cnt_sp.at[pl.ds(rpt * _NS, tail)])
        pltpu.sync_copy(ones_hbm, ones_v)
        plsc.subcore_barrier()

        ebase = w * epw

        def chunk(i, carry):
            off = ebase + i * _K
            pltpu.sync_copy(dst_hbm.at[pl.ds(off, _K)], didx)
            pltpu.sync_copy(ones_v, cnt_sp.at[didx], add=True)
            return carry

        lax.fori_loop(0, ch, chunk, 0)
        plsc.subcore_barrier()

        def copy_out(j, carry):
            pltpu.sync_copy(cnt_sp.at[pl.ds(rbase + j * _Z, _Z)],
                            cbuf.at[pl.ds(0, _Z)])
            pltpu.sync_copy(cbuf.at[pl.ds(0, _Z)],
                            cnt_out.at[c, pl.ds(rbase + j * _Z, _Z)])
            return carry

        lax.fori_loop(0, zloops, copy_out, 0)
        if tail:
            @pl.when(s == _NS - 1)
            def _():
                pltpu.sync_copy(cnt_sp.at[pl.ds(rpt * _NS, tail)],
                                cbuf.at[pl.ds(0, tail)])
                pltpu.sync_copy(cbuf.at[pl.ds(0, tail)],
                                cnt_out.at[c, pl.ds(rpt * _NS, tail)])

    fn = pl.kernel(
        body,
        out_type=(jax.ShapeDtypeStruct((_NC, N, D), jnp.float32),),
        mesh=_mesh(),
        scratch_types=[
            pltpu.VMEM((_K,), jnp.int32),
            pltpu.VMEM((_K, D), jnp.float32),
            pltpu.VMEM((_Z, D), jnp.float32),
            pltpu.VMEM_SHARED((N, D), jnp.float32),
            pltpu.SemaphoreType.DMA,
        ],
    )
    (o,) = fn(dst, zc, ones)
    return o


def _dotT(a, w):
    return lax.dot_general(a, w, (((1,), (1,)), ((), ())),
                           preferred_element_type=jnp.float32)


def _tc_layer(x, agg, cnt, Wl, bl, Wr):
    N, D = x.shape
    R = 1000

    def body(x_ref, a0, a1, c0, c1, wl, blr, wr, o_ref):
        n = jnp.maximum(c0[0][:, 0:1] + c1[0][:, 0:1], 1.0)
        mean = (a0[0] + a1[0]) / n
        h = _dotT(mean, wl[...]) + blr[...] + _dotT(x_ref[...], wr[...])
        o_ref[...] = jnp.maximum(h, 0.0)

    return pl.pallas_call(
        body,
        grid=(N // R,),
        in_specs=[
            pl.BlockSpec((R, D), lambda i: (i, 0)),
            pl.BlockSpec((1, R, D), lambda i: (0, i, 0)),
            pl.BlockSpec((1, R, D), lambda i: (1, i, 0)),
            pl.BlockSpec((1, R, D), lambda i: (0, i, 0)),
            pl.BlockSpec((1, R, D), lambda i: (1, i, 0)),
            pl.BlockSpec((D, D), lambda i: (0, 0)),
            pl.BlockSpec((1, D), lambda i: (0, 0)),
            pl.BlockSpec((D, D), lambda i: (0, 0)),
        ],
        out_specs=pl.BlockSpec((R, D), lambda i: (i, 0)),
        out_shape=jax.ShapeDtypeStruct((N, D), jnp.float32),
    )(x, agg, agg, cnt, cnt, Wl, bl.reshape(1, D), Wr)


def _tc_final(h, agg, cnt, Wl, bl, Wr, Wp1, bp1, Wp2, bp2):
    N, D = h.shape
    R = 1000

    def body(h_ref, a0, a1, c0, c1, wl, blr, wr, wp1, bp1r, wp2, bp2r,
             o_ref):
        n = jnp.maximum(c0[0][:, 0:1] + c1[0][:, 0:1], 1.0)
        mean = (a0[0] + a1[0]) / n
        g = _dotT(mean, wl[...]) + blr[...] + _dotT(h_ref[...], wr[...])
        g = jnp.maximum(g, 0.0)
        g = _dotT(g, wp1[...]) + bp1r[...]
        o_ref[...] = _dotT(g, wp2[...]) + bp2r[...]

    return pl.pallas_call(
        body,
        grid=(N // R,),
        in_specs=[
            pl.BlockSpec((R, D), lambda i: (i, 0)),
            pl.BlockSpec((1, R, D), lambda i: (0, i, 0)),
            pl.BlockSpec((1, R, D), lambda i: (1, i, 0)),
            pl.BlockSpec((1, R, D), lambda i: (0, i, 0)),
            pl.BlockSpec((1, R, D), lambda i: (1, i, 0)),
            pl.BlockSpec((D, D), lambda i: (0, 0)),
            pl.BlockSpec((1, D), lambda i: (0, 0)),
            pl.BlockSpec((D, D), lambda i: (0, 0)),
            pl.BlockSpec((D, D), lambda i: (0, 0)),
            pl.BlockSpec((1, D), lambda i: (0, 0)),
            pl.BlockSpec((D, D), lambda i: (0, 0)),
            pl.BlockSpec((1, D), lambda i: (0, 0)),
        ],
        out_specs=pl.BlockSpec((R, D), lambda i: (i, 0)),
        out_shape=jax.ShapeDtypeStruct((N, D), jnp.float32),
    )(h, agg, agg, cnt, cnt, Wl, bl.reshape(1, D), Wr,
      Wp1, bp1.reshape(1, D), Wp2, bp2.reshape(1, D))


def kernel(x, edge_index, Wl0, bl0, Wr0, Wl1, bl1, Wr1, Wp1, bp1, Wp2, bp2):
    N, D = x.shape
    src = edge_index[0]
    dst = edge_index[1]
    zf = jnp.zeros((_Z, D), jnp.float32)
    ones = jnp.ones((_K, D), jnp.float32)

    cnt = _cnt_sc(dst, zf, ones, N, D)
    agg0 = _agg_sc(x, src, dst, zf)
    h = _tc_layer(x, agg0, cnt, Wl0, bl0, Wr0)
    agg1 = _agg_sc(h, src, dst, zf)
    return _tc_final(h, agg1, cnt, Wl1, bl1, Wr1, Wp1, bp1, Wp2, bp2)

# --- scband reference (transcript-rebuilt; emitter-appended) ---
"""Pipeline reference for scband-gnn-31903017075422 (READ-ONLY COPY).

The authoritative reference and input builder live on the scoring server;
editing this copy changes nothing except your own understanding.
"""

import jax, jax.numpy as jnp
import numpy as np

N = 10000
E = 320000
D = 128


def setup_inputs(seed: int = 0) -> dict:
    key = jax.random.key(seed)
    ks = jax.random.split(key, 12)
    s = 1.0 / np.sqrt(D)
    inp = {}
    inp["x"] = jax.random.normal(ks[0], (N, D), dtype=jnp.float32)
    inp["edge_index"] = jax.random.randint(ks[1], (2, E), 0, N, dtype=jnp.int32)
    # SAGEConv layer 0: lin_l (with bias, applied to aggregated neighbors), lin_r (no bias, applied to root)
    inp["Wl0"] = jax.random.normal(ks[2], (D, D), dtype=jnp.float32) * s
    inp["bl0"] = jnp.zeros((D,), dtype=jnp.float32)
    inp["Wr0"] = jax.random.normal(ks[3], (D, D), dtype=jnp.float32) * s
    # SAGEConv layer 1
    inp["Wl1"] = jax.random.normal(ks[4], (D, D), dtype=jnp.float32) * s
    inp["bl1"] = jnp.zeros((D,), dtype=jnp.float32)
    inp["Wr1"] = jax.random.normal(ks[5], (D, D), dtype=jnp.float32) * s
    # post_mp: Linear(hidden, hidden) -> Dropout(eval: identity) -> Linear(hidden, output)
    inp["Wp1"] = jax.random.normal(ks[6], (D, D), dtype=jnp.float32) * s
    inp["bp1"] = jnp.zeros((D,), dtype=jnp.float32)
    inp["Wp2"] = jax.random.normal(ks[7], (D, D), dtype=jnp.float32) * s
    inp["bp2"] = jnp.zeros((D,), dtype=jnp.float32)
    return inp


def _sage_conv(x, edge_index, Wl, bl, Wr):
    # PyG SAGEConv (mean aggr): out = lin_l(mean_{j in N(i)} x_j) + lin_r(x_i)
    src = edge_index[0]
    dst = edge_index[1]
    msgs = jnp.take(x, src, axis=0)                              # gather   [E, D]
    agg = jax.ops.segment_sum(msgs, dst, num_segments=N)          # scatter-add [N, D]
    cnt = jax.ops.segment_sum(jnp.ones((E,), dtype=x.dtype), dst, num_segments=N)
    mean = agg / jnp.clip(cnt, 1.0)[:, None]
    return mean @ Wl.T + bl + x @ Wr.T


def reference(x, edge_index, Wl0, bl0, Wr0, Wl1, bl1, Wr1, Wp1, bp1, Wp2, bp2):
    # layer 0 + relu (dropout is identity in eval mode)
    h = jax.nn.relu(_sage_conv(x, edge_index, Wl0, bl0, Wr0))
    # layer 1 + relu
    h = jax.nn.relu(_sage_conv(h, edge_index, Wl1, bl1, Wr1))
    # post_mp
    h = h @ Wp1.T + bp1
    out = h @ Wp2.T + bp2
    return out

if __name__ == "__main__":
    import jax
    _d = setup_inputs()
    print(jax.jit(kernel)(*tuple(_d.values())))

</pallas_src>

<mosaic_0001>
#map = affine_map<(d0, d1) -> (0, 0)>
#map1 = affine_map<(d0, d1) -> (0)>
#map2 = affine_map<(d0, d1) -> (0, 0, 0)>
module attributes {stable_mosaic.version = 14 : i64} {
  func.func @body(%arg0: i32, %arg1: i32, %arg2: memref<10000x128xf32, #tpu.memory_space<hbm>>, %arg3: memref<320000xi32, #tpu.memory_space<hbm>>, %arg4: memref<320000xi32, #tpu.memory_space<hbm>>, %arg5: memref<48x128xf32, #tpu.memory_space<hbm>>, %arg6: memref<2x10000x128xf32, #tpu.memory_space<hbm>>, %arg7: memref<80xi32, #tpu.memory_space<vmem>>, %arg8: memref<80xi32, #tpu.memory_space<vmem>>, %arg9: memref<80x128xf32, #tpu.memory_space<vmem>>, %arg10: memref<10000x128xf32, #tpu.memory_space<vmem_shared>>, %arg11: memref<!tpu.dma_semaphore, #tpu.memory_space<semaphore_mem>>) attributes {dimension_semantics = [#tpu.dimension_semantics<core_parallel>, #tpu.dimension_semantics<subcore_parallel>], iteration_bounds = array<i64: 2, 16>, scalar_prefetch = 0 : i64, scratch_operands = 5 : i64, tpu.core_type = #tpu.core_type<sc_vector_subcore>, window_params = [{transform_indices = #map}, {transform_indices = #map1}, {transform_indices = #map1}, {transform_indices = #map}, {transform_indices = #map2}]} {
    %mul3A = arith.constant 16 : i32
    %mul3A_0 = arith.muli %arg0, %mul3A : i32
    %add3A = arith.addi %mul3A_0, %arg1 : i32
    %mul3A_1 = arith.constant 624 : i32
    %mul3A_2 = arith.muli %arg1, %mul3A_1 : i32
    "tpu.region"() ({
      %run_scoped3A = tpu.sem_alloc : memref<!tpu.dma_semaphore, #tpu.memory_space<semaphore_mem>>
      %dma_start3A = arith.constant 0 : i32
      %dma_start3A_30 = arith.constant 0 : i32
      %dma_start3A_31 = tpu.memref_slice %arg9[%dma_start3A, %dma_start3A_30] : memref<80x128xf32, #tpu.memory_space<vmem>> -> memref<48x128xf32, #tpu.memory_space<vmem>>
      %dma_start3A_32 = arith.constant 0 : i32
      %dma_start3A_33 = arith.constant 0 : i32
      %dma_start3A_34 = tpu.memref_slice %arg9[%dma_start3A_32, %dma_start3A_33] : memref<80x128xf32, #tpu.memory_space<vmem>> -> memref<48x128xf32, #tpu.memory_space<vmem>>
      tpu.enqueue_dma source(%arg5 : memref<48x128xf32, #tpu.memory_space<hbm>>) target(%dma_start3A_34 : memref<48x128xf32, #tpu.memory_space<vmem>>) target_semaphore(%run_scoped3A : memref<!tpu.dma_semaphore, #tpu.memory_space<semaphore_mem>>)
      %dma_wait3A = arith.constant 0 : i32
      %dma_wait3A_35 = arith.constant 0 : i32
      %dma_wait3A_36 = tpu.memref_slice %arg9[%dma_wait3A, %dma_wait3A_35] : memref<80x128xf32, #tpu.memory_space<vmem>> -> memref<48x128xf32, #tpu.memory_space<vmem>>
      %dma_wait3A_37 = arith.constant 0 : i32
      %dma_wait3A_38 = arith.constant 0 : i32
      %dma_wait3A_39 = tpu.memref_slice %arg9[%dma_wait3A_37, %dma_wait3A_38] : memref<80x128xf32, #tpu.memory_space<vmem>> -> memref<48x128xf32, #tpu.memory_space<vmem>>
      tpu.wait_dma2 semaphore(%run_scoped3A : memref<!tpu.dma_semaphore, #tpu.memory_space<semaphore_mem>>) src(%arg5 : memref<48x128xf32, #tpu.memory_space<hbm>>) dst(%dma_wait3A_39 : memref<48x128xf32, #tpu.memory_space<vmem>>)
      tpu.yield
    }) : () -> ()
    %scan3A = arith.constant 0 : i32
    %scan3A_3 = arith.constant 0 : i32
    %scan3A_4 = arith.constant 13 : i32
    %scan3A_5 = arith.addi %scan3A_3, %scan3A_4 : i32
    %scan3A_6 = arith.constant 1 : i32
    scf.for %scan3A_30 = %scan3A_3 to %scan3A_5 step %scan3A_6  : i32 {
      %mul3A_31 = arith.constant 48 : i32
      %mul3A_32 = arith.muli %scan3A_30, %mul3A_31 : i32
      %add3A_33 = arith.addi %mul3A_2, %mul3A_32 : i32
      "tpu.region"() ({
        %run_scoped3A = tpu.sem_alloc : memref<!tpu.dma_semaphore, #tpu.memory_space<semaphore_mem>>
        %dma_start3A = arith.constant 0 : i32
        %dma_start3A_34 = arith.constant 0 : i32
        %dma_start3A_35 = tpu.memref_slice %arg9[%dma_start3A, %dma_start3A_34] : memref<80x128xf32, #tpu.memory_space<vmem>> -> memref<48x128xf32, #tpu.memory_space<vmem>>
        %dma_start3A_36 = arith.constant 0 : i32
        %dma_start3A_37 = tpu.memref_slice %arg10[%add3A_33, %dma_start3A_36] : memref<10000x128xf32, #tpu.memory_space<vmem_shared>> -> memref<48x128xf32, #tpu.memory_space<vmem_shared>>
        %dma_start3A_38 = arith.constant 0 : i32
        %dma_start3A_39 = tpu.memref_slice %arg10[%add3A_33, %dma_start3A_38] : memref<10000x128xf32, #tpu.memory_space<vmem_shared>> -> memref<48x128xf32, #tpu.memory_space<vmem_shared>>
        %dma_start3A_40 = arith.constant 0 : i32
        %dma_start3A_41 = arith.constant 0 : i32
        %dma_start3A_42 = tpu.memref_slice %arg9[%dma_start3A_40, %dma_start3A_41] : memref<80x128xf32, #tpu.memory_space<vmem>> -> memref<48x128xf32, #tpu.memory_space<vmem>>
        tpu.enqueue_dma source(%dma_start3A_42 : memref<48x128xf32, #tpu.memory_space<vmem>>) target(%dma_start3A_39 : memref<48x128xf32, #tpu.memory_space<vmem_shared>>) target_semaphore(%run_scoped3A : memref<!tpu.dma_semaphore, #tpu.memory_space<semaphore_mem>>)
        %dma_wait3A = arith.constant 0 : i32
        %dma_wait3A_43 = arith.constant 0 : i32
        %dma_wait3A_44 = tpu.memref_slice %arg9[%dma_wait3A, %dma_wait3A_43] : memref<80x128xf32, #tpu.memory_space<vmem>> -> memref<48x128xf32, #tpu.memory_space<vmem>>
        %dma_wait3A_45 = arith.constant 0 : i32
        %dma_wait3A_46 = tpu.memref_slice %arg10[%add3A_33, %dma_wait3A_45] : memref<10000x128xf32, #tpu.memory_space<vmem_shared>> -> memref<48x128xf32, #tpu.memory_space<vmem_shared>>
        %dma_wait3A_47 = arith.constant 0 : i32
        %dma_wait3A_48 = tpu.memref_slice %arg10[%add3A_33, %dma_wait3A_47] : memref<10000x128xf32, #tpu.memory_space<vmem_shared>> -> memref<48x128xf32, #tpu.memory_space<vmem_shared>>
        %dma_wait3A_49 = arith.constant 0 : i32
        %dma_wait3A_50 = arith.constant 0 : i32
        %dma_wait3A_51 = tpu.memref_slice %arg9[%dma_wait3A_49, %dma_wait3A_50] : memref<80x128xf32, #tpu.memory_space<vmem>> -> memref<48x128xf32, #tpu.memory_space<vmem>>
        tpu.wait_dma2 semaphore(%run_scoped3A : memref<!tpu.dma_semaphore, #tpu.memory_space<semaphore_mem>>) src(%dma_wait3A_51 : memref<48x128xf32, #tpu.memory_space<vmem>>) dst(%dma_wait3A_48 : memref<48x128xf32, #tpu.memory_space<vmem_shared>>)
        tpu.yield
      }) : () -> ()
    }
    %scan3A_7 = arith.constant 13 : i32
    %eq3A = arith.constant 15 : i32
    %eq3A_8 = arith.cmpi eq, %arg1, %eq3A : i32
    %convert_element_type3A = arith.extui %eq3A_8 : i1 to i32
    %cond3A = arith.constant 0 : i32
    %cond3A_9 = arith.cmpi ne, %convert_element_type3A, %cond3A : i32
    scf.if %cond3A_9 {
      "tpu.region"() ({
        %run_scoped3A = tpu.sem_alloc : memref<!tpu.dma_semaphore, #tpu.memory_space<semaphore_mem>>
        %dma_start3A = arith.constant 0 : i32
        %dma_start3A_30 = arith.constant 0 : i32
        %dma_start3A_31 = tpu.memref_slice %arg9[%dma_start3A, %dma_start3A_30] : memref<80x128xf32, #tpu.memory_space<vmem>> -> memref<16x128xf32, #tpu.memory_space<vmem>>
        %dma_start3A_32 = arith.constant 9984 : i32
        %dma_start3A_33 = arith.constant 0 : i32
        %dma_start3A_34 = tpu.memref_slice %arg10[%dma_start3A_32, %dma_start3A_33] : memref<10000x128xf32, #tpu.memory_space<vmem_shared>> -> memref<16x128xf32, #tpu.memory_space<vmem_shared>>
        %dma_start3A_35 = arith.constant 9984 : i32
        %dma_start3A_36 = arith.constant 0 : i32
        %dma_start3A_37 = tpu.memref_slice %arg10[%dma_start3A_35, %dma_start3A_36] : memref<10000x128xf32, #tpu.memory_space<vmem_shared>> -> memref<16x128xf32, #tpu.memory_space<vmem_shared>>
        %dma_start3A_38 = arith.constant 0 : i32
        %dma_start3A_39 = arith.constant 0 : i32
        %dma_start3A_40 = tpu.memref_slice %arg9[%dma_start3A_38, %dma_start3A_39] : memref<80x128xf32, #tpu.memory_space<vmem>> -> memref<16x128xf32, #tpu.memory_space<vmem>>
        tpu.enqueue_dma source(%dma_start3A_40 : memref<16x128xf32, #tpu.memory_space<vmem>>) target(%dma_start3A_37 : memref<16x128xf32, #tpu.memory_space<vmem_shared>>) target_semaphore(%run_scoped3A : memref<!tpu.dma_semaphore, #tpu.memory_space<semaphore_mem>>)
        %dma_wait3A = arith.constant 0 : i32
        %dma_wait3A_41 = arith.constant 0 : i32
        %dma_wait3A_42 = tpu.memref_slice %arg9[%dma_wait3A, %dma_wait3A_41] : memref<80x128xf32, #tpu.memory_space<vmem>> -> memref<16x128xf32, #tpu.memory_space<vmem>>
        %dma_wait3A_43 = arith.constant 9984 : i32
        %dma_wait3A_44 = arith.constant 0 : i32
        %dma_wait3A_45 = tpu.memref_slice %arg10[%dma_wait3A_43, %dma_wait3A_44] : memref<10000x128xf32, #tpu.memory_space<vmem_shared>> -> memref<16x128xf32, #tpu.memory_space<vmem_shared>>
        %dma_wait3A_46 = arith.constant 9984 : i32
        %dma_wait3A_47 = arith.constant 0 : i32
        %dma_wait3A_48 = tpu.memref_slice %arg10[%dma_wait3A_46, %dma_wait3A_47] : memref<10000x128xf32, #tpu.memory_space<vmem_shared>> -> memref<16x128xf32, #tpu.memory_space<vmem_shared>>
        %dma_wait3A_49 = arith.constant 0 : i32
        %dma_wait3A_50 = arith.constant 0 : i32
        %dma_wait3A_51 = tpu.memref_slice %arg9[%dma_wait3A_49, %dma_wait3A_50] : memref<80x128xf32, #tpu.memory_space<vmem>> -> memref<16x128xf32, #tpu.memory_space<vmem>>
        tpu.wait_dma2 semaphore(%run_scoped3A : memref<!tpu.dma_semaphore, #tpu.memory_space<semaphore_mem>>) src(%dma_wait3A_51 : memref<16x128xf32, #tpu.memory_space<vmem>>) dst(%dma_wait3A_48 : memref<16x128xf32, #tpu.memory_space<vmem_shared>>)
        tpu.yield
      }) : () -> ()
    } else {
    }
    %barrier3A = arith.constant 0 : index
    tpu.barrier barrier_id(%barrier3A)
    %mul3A_10 = arith.constant 10000 : i32
    %mul3A_11 = arith.muli %add3A, %mul3A_10 : i32
    %scan3A_12 = arith.constant 0 : i32
    %scan3A_13 = arith.constant 0 : i32
    %scan3A_14 = arith.constant 125 : i32
    %scan3A_15 = arith.addi %scan3A_13, %scan3A_14 : i32
    %scan3A_16 = arith.constant 1 : i32
    scf.for %scan3A_30 = %scan3A_13 to %scan3A_15 step %scan3A_16  : i32 {
      %mul3A_31 = arith.constant 80 : i32
      %mul3A_32 = arith.muli %scan3A_30, %mul3A_31 : i32
      %add3A_33 = arith.addi %mul3A_11, %mul3A_32 : i32
      "tpu.region"() ({
        %run_scoped3A = tpu.sem_alloc : memref<!tpu.dma_semaphore, #tpu.memory_space<semaphore_mem>>
        %dma_start3A_38 = tpu.memref_slice %arg3[%add3A_33] : memref<320000xi32, #tpu.memory_space<hbm>> -> memref<80xi32, #tpu.memory_space<hbm>>
        %dma_start3A_39 = tpu.memref_slice %arg3[%add3A_33] : memref<320000xi32, #tpu.memory_space<hbm>> -> memref<80xi32, #tpu.memory_space<hbm>>
        tpu.enqueue_dma source(%dma_start3A_39 : memref<80xi32, #tpu.memory_space<hbm>>) target(%arg7 : memref<80xi32, #tpu.memory_space<vmem>>) target_semaphore(%run_scoped3A : memref<!tpu.dma_semaphore, #tpu.memory_space<semaphore_mem>>)
        %dma_wait3A_40 = tpu.memref_slice %arg3[%add3A_33] : memref<320000xi32, #tpu.memory_space<hbm>> -> memref<80xi32, #tpu.memory_space<hbm>>
        %dma_wait3A_41 = tpu.memref_slice %arg3[%add3A_33] : memref<320000xi32, #tpu.memory_space<hbm>> -> memref<80xi32, #tpu.memory_space<hbm>>
        tpu.wait_dma2 semaphore(%run_scoped3A : memref<!tpu.dma_semaphore, #tpu.memory_space<semaphore_mem>>) src(%dma_wait3A_41 : memref<80xi32, #tpu.memory_space<hbm>>) dst(%arg7 : memref<80xi32, #tpu.memory_space<vmem>>)
        tpu.yield
      }) : () -> ()
      "tpu.region"() ({
        %run_scoped3A = tpu.sem_alloc : memref<!tpu.dma_semaphore, #tpu.memory_space<semaphore_mem>>
        %dma_start3A_38 = tpu.memref_slice %arg4[%add3A_33] : memref<320000xi32, #tpu.memory_space<hbm>> -> memref<80xi32, #tpu.memory_space<hbm>>
        %dma_start3A_39 = tpu.memref_slice %arg4[%add3A_33] : memref<320000xi32, #tpu.memory_space<hbm>> -> memref<80xi32, #tpu.memory_space<hbm>>
        tpu.enqueue_dma source(%dma_start3A_39 : memref<80xi32, #tpu.memory_space<hbm>>) target(%arg8 : memref<80xi32, #tpu.memory_space<vmem>>) target_semaphore(%run_scoped3A : memref<!tpu.dma_semaphore, #tpu.memory_space<semaphore_mem>>)
        %dma_wait3A_40 = tpu.memref_slice %arg4[%add3A_33] : memref<320000xi32, #tpu.memory_space<hbm>> -> memref<80xi32, #tpu.memory_space<hbm>>
        %dma_wait3A_41 = tpu.memref_slice %arg4[%add3A_33] : memref<320000xi32, #tpu.memory_space<hbm>> -> memref<80xi32, #tpu.memory_space<hbm>>
        tpu.wait_dma2 semaphore(%run_scoped3A : memref<!tpu.dma_semaphore, #tpu.memory_space<semaphore_mem>>) src(%dma_wait3A_41 : memref<80xi32, #tpu.memory_space<hbm>>) dst(%arg8 : memref<80xi32, #tpu.memory_space<vmem>>)
        tpu.yield
      }) : () -> ()
      %dma_start3A = arith.constant 0 : i32
      %dma_start3A_34 = arith.constant 0 : i32
      %dma_start3A_35 = tpu.memref_slice %arg2[%dma_start3A, %dma_start3A_34] : memref<10000x128xf32, #tpu.memory_space<hbm>> -> memref<10000x128xf32, #tpu.memory_space<hbm>>
      tpu.enqueue_indirect_dma source(%dma_start3A_35 : memref<10000x128xf32, #tpu.memory_space<hbm>>) target(%arg9 : memref<80x128xf32, #tpu.memory_space<vmem>>) offsets(%arg7 : memref<80xi32, #tpu.memory_space<vmem>>) semaphore(%arg11 : memref<!tpu.dma_semaphore, #tpu.memory_space<semaphore_mem>>)
      %dma_wait3A = arith.constant 0 : i32
      %dma_wait3A_36 = arith.constant 0 : i32
      %dma_wait3A_37 = tpu.memref_slice %arg2[%dma_wait3A, %dma_wait3A_36] : memref<10000x128xf32, #tpu.memory_space<hbm>> -> memref<10000x128xf32, #tpu.memory_space<hbm>>
      tpu.wait_indirect_dma semaphore(%arg11 : memref<!tpu.dma_semaphore, #tpu.memory_space<semaphore_mem>>) src(%dma_wait3A_37 : memref<10000x128xf32, #tpu.memory_space<hbm>>) dst(%arg9 : memref<80x128xf32, #tpu.memory_space<vmem>>)
      "tpu.region"() ({
        %run_scoped3A = tpu.sem_alloc : memref<!tpu.dma_semaphore, #tpu.memory_space<semaphore_mem>>
        %dma_start3A_38 = arith.constant 0 : i32
        %dma_start3A_39 = arith.constant 0 : i32
        %dma_start3A_40 = tpu.memref_slice %arg10[%dma_start3A_38, %dma_start3A_39] : memref<10000x128xf32, #tpu.memory_space<vmem_shared>> -> memref<10000x128xf32, #tpu.memory_space<vmem_shared>>
        tpu.enqueue_indirect_dma source(%arg9 : memref<80x128xf32, #tpu.memory_space<vmem>>) target(%dma_start3A_40 : memref<10000x128xf32, #tpu.memory_space<vmem_shared>>) offsets(%arg8 : memref<80xi32, #tpu.memory_space<vmem>>) semaphore(%run_scoped3A : memref<!tpu.dma_semaphore, #tpu.memory_space<semaphore_mem>>) {add = true}
        %dma_wait3A_41 = arith.constant 0 : i32
        %dma_wait3A_42 = arith.constant 0 : i32
        %dma_wait3A_43 = tpu.memref_slice %arg10[%dma_wait3A_41, %dma_wait3A_42] : memref<10000x128xf32, #tpu.memory_space<vmem_shared>> -> memref<10000x128xf32, #tpu.memory_space<vmem_shared>>
        tpu.wait_indirect_dma semaphore(%run_scoped3A : memref<!tpu.dma_semaphore, #tpu.memory_space<semaphore_mem>>) src(%arg9 : memref<80x128xf32, #tpu.memory_space<vmem>>) dst(%dma_wait3A_43 : memref<10000x128xf32, #tpu.memory_space<vmem_shared>>)
        tpu.yield
      }) : () -> ()
    }
    %scan3A_17 = arith.constant 125 : i32
    %barrier3A_18 = arith.constant 0 : index
    tpu.barrier barrier_id(%barrier3A_18)
    %scan3A_19 = arith.constant 0 : i32
    %scan3A_20 = arith.constant 0 : i32
    %scan3A_21 = arith.constant 13 : i32
    %scan3A_22 = arith.addi %scan3A_20, %scan3A_21 : i32
    %scan3A_23 = arith.constant 1 : i32
    scf.for %scan3A_30 = %scan3A_20 to %scan3A_22 step %scan3A_23  : i32 {
      %mul3A_31 = arith.constant 48 : i32
      %mul3A_32 = arith.muli %scan3A_30, %mul3A_31 : i32
      %add3A_33 = arith.addi %mul3A_2, %mul3A_32 : i32
      "tpu.region"() ({
        %run_scoped3A = tpu.sem_alloc : memref<!tpu.dma_semaphore, #tpu.memory_space<semaphore_mem>>
        %dma_start3A = arith.constant 0 : i32
        %dma_start3A_37 = arith.constant 0 : i32
        %dma_start3A_38 = tpu.memref_slice %arg9[%dma_start3A, %dma_start3A_37] : memref<80x128xf32, #tpu.memory_space<vmem>> -> memref<48x128xf32, #tpu.memory_space<vmem>>
        %dma_start3A_39 = arith.constant 0 : i32
        %dma_start3A_40 = tpu.memref_slice %arg10[%add3A_33, %dma_start3A_39] : memref<10000x128xf32, #tpu.memory_space<vmem_shared>> -> memref<48x128xf32, #tpu.memory_space<vmem_shared>>
        %dma_start3A_41 = arith.constant 0 : i32
        %dma_start3A_42 = arith.constant 0 : i32
        %dma_start3A_43 = tpu.memref_slice %arg9[%dma_start3A_41, %dma_start3A_42] : memref<80x128xf32, #tpu.memory_space<vmem>> -> memref<48x128xf32, #tpu.memory_space<vmem>>
        %dma_start3A_44 = arith.constant 0 : i32
        %dma_start3A_45 = tpu.memref_slice %arg10[%add3A_33, %dma_start3A_44] : memref<10000x128xf32, #tpu.memory_space<vmem_shared>> -> memref<48x128xf32, #tpu.memory_space<vmem_shared>>
        tpu.enqueue_dma source(%dma_start3A_45 : memref<48x128xf32, #tpu.memory_space<vmem_shared>>) target(%dma_start3A_43 : memref<48x128xf32, #tpu.memory_space<vmem>>) target_semaphore(%run_scoped3A : memref<!tpu.dma_semaphore, #tpu.memory_space<semaphore_mem>>)
        %dma_wait3A = arith.constant 0 : i32
        %dma_wait3A_46 = arith.constant 0 : i32
        %dma_wait3A_47 = tpu.memref_slice %arg9[%dma_wait3A, %dma_wait3A_46] : memref<80x128xf32, #tpu.memory_space<vmem>> -> memref<48x128xf32, #tpu.memory_space<vmem>>
        %dma_wait3A_48 = arith.constant 0 : i32
        %dma_wait3A_49 = tpu.memref_slice %arg10[%add3A_33, %dma_wait3A_48] : memref<10000x128xf32, #tpu.memory_space<vmem_shared>> -> memref<48x128xf32, #tpu.memory_space<vmem_shared>>
        %dma_wait3A_50 = arith.constant 0 : i32
        %dma_wait3A_51 = arith.constant 0 : i32
        %dma_wait3A_52 = tpu.memref_slice %arg9[%dma_wait3A_50, %dma_wait3A_51] : memref<80x128xf32, #tpu.memory_space<vmem>> -> memref<48x128xf32, #tpu.memory_space<vmem>>
        %dma_wait3A_53 = arith.constant 0 : i32
        %dma_wait3A_54 = tpu.memref_slice %arg10[%add3A_33, %dma_wait3A_53] : memref<10000x128xf32, #tpu.memory_space<vmem_shared>> -> memref<48x128xf32, #tpu.memory_space<vmem_shared>>
        tpu.wait_dma2 semaphore(%run_scoped3A : memref<!tpu.dma_semaphore, #tpu.memory_space<semaphore_mem>>) src(%dma_wait3A_54 : memref<48x128xf32, #tpu.memory_space<vmem_shared>>) dst(%dma_wait3A_52 : memref<48x128xf32, #tpu.memory_space<vmem>>)
        tpu.yield
      }) : () -> ()
      %mul3A_34 = arith.constant 48 : i32
      %mul3A_35 = arith.muli %scan3A_30, %mul3A_34 : i32
      %add3A_36 = arith.addi %mul3A_2, %mul3A_35 : i32
      "tpu.region"() ({
        %run_scoped3A = tpu.sem_alloc : memref<!tpu.dma_semaphore, #tpu.memory_space<semaphore_mem>>
        %dma_start3A = arith.constant 0 : i32
        %dma_start3A_37 = arith.constant 0 : i32
        %dma_start3A_38 = tpu.memref_slice %arg9[%dma_start3A, %dma_start3A_37] : memref<80x128xf32, #tpu.memory_space<vmem>> -> memref<48x128xf32, #tpu.memory_space<vmem>>
        %dma_start3A_39 = arith.constant 0 : i32
        %dma_start3A_40 = tpu.memref_slice %arg6[%arg0, %add3A_36, %dma_start3A_39] : memref<2x10000x128xf32, #tpu.memory_space<hbm>> -> memref<1x48x128xf32, #tpu.memory_space<hbm>>
        %dma_start3A_41 = tpu.memref_squeeze %dma_start3A_40 : memref<1x48x128xf32, #tpu.memory_space<hbm>> -> memref<48x128xf32, #tpu.memory_space<hbm>>
        %dma_start3A_42 = arith.constant 0 : i32
        %dma_start3A_43 = tpu.memref_slice %arg6[%arg0, %add3A_36, %dma_start3A_42] : memref<2x10000x128xf32, #tpu.memory_space<hbm>> -> memref<1x48x128xf32, #tpu.memory_space<hbm>>
        %dma_start3A_44 = tpu.memref_squeeze %dma_start3A_43 : memref<1x48x128xf32, #tpu.memory_space<hbm>> -> memref<48x128xf32, #tpu.memory_space<hbm>>
        %dma_start3A_45 = arith.constant 0 : i32
        %dma_start3A_46 = arith.constant 0 : i32
        %dma_start3A_47 = tpu.memref_slice %arg9[%dma_start3A_45, %dma_start3A_46] : memref<80x128xf32, #tpu.memory_space<vmem>> -> memref<48x128xf32, #tpu.memory_space<vmem>>
        tpu.enqueue_dma source(%dma_start3A_47 : memref<48x128xf32, #tpu.memory_space<vmem>>) target(%dma_start3A_44 : memref<48x128xf32, #tpu.memory_space<hbm>>) target_semaphore(%run_scoped3A : memref<!tpu.dma_semaphore, #tpu.memory_space<semaphore_mem>>)
        %dma_wait3A = arith.constant 0 : i32
        %dma_wait3A_48 = arith.constant 0 : i32
        %dma_wait3A_49 = tpu.memref_slice %arg9[%dma_wait3A, %dma_wait3A_48] : memref<80x128xf32, #tpu.memory_space<vmem>> -> memref<48x128xf32, #tpu.memory_space<vmem>>
        %dma_wait3A_50 = arith.constant 0 : i32
        %dma_wait3A_51 = tpu.memref_slice %arg6[%arg0, %add3A_36, %dma_wait3A_50] : memref<2x10000x128xf32, #tpu.memory_space<hbm>> -> memref<1x48x128xf32, #tpu.memory_space<hbm>>
        %dma_wait3A_52 = tpu.memref_squeeze %dma_wait3A_51 : memref<1x48x128xf32, #tpu.memory_space<hbm>> -> memref<48x128xf32, #tpu.memory_space<hbm>>
        %dma_wait3A_53 = arith.constant 0 : i32
        %dma_wait3A_54 = tpu.memref_slice %arg6[%arg0, %add3A_36, %dma_wait3A_53] : memref<2x10000x128xf32, #tpu.memory_space<hbm>> -> memref<1x48x128xf32, #tpu.memory_space<hbm>>
        %dma_wait3A_55 = tpu.memref_squeeze %dma_wait3A_54 : memref<1x48x128xf32, #tpu.memory_space<hbm>> -> memref<48x128xf32, #tpu.memory_space<hbm>>
        %dma_wait3A_56 = arith.constant 0 : i32
        %dma_wait3A_57 = arith.constant 0 : i32
        %dma_wait3A_58 = tpu.memref_slice %arg9[%dma_wait3A_56, %dma_wait3A_57] : memref<80x128xf32, #tpu.memory_space<vmem>> -> memref<48x128xf32, #tpu.memory_space<vmem>>
        tpu.wait_dma2 semaphore(%run_scoped3A : memref<!tpu.dma_semaphore, #tpu.memory_space<semaphore_mem>>) src(%dma_wait3A_58 : memref<48x128xf32, #tpu.memory_space<vmem>>) dst(%dma_wait3A_55 : memref<48x128xf32, #tpu.memory_space<hbm>>)
        tpu.yield
      }) : () -> ()
    }
    %scan3A_24 = arith.constant 13 : i32
    %eq3A_25 = arith.constant 15 : i32
    %eq3A_26 = arith.cmpi eq, %arg1, %eq3A_25 : i32
    %convert_element_type3A_27 = arith.extui %eq3A_26 : i1 to i32
    %cond3A_28 = arith.constant 0 : i32
    %cond3A_29 = arith.cmpi ne, %convert_element_type3A_27, %cond3A_28 : i32
    scf.if %cond3A_29 {
      "tpu.region"() ({
        %run_scoped3A = tpu.sem_alloc : memref<!tpu.dma_semaphore, #tpu.memory_space<semaphore_mem>>
        %dma_start3A = arith.constant 0 : i32
        %dma_start3A_30 = arith.constant 0 : i32
        %dma_start3A_31 = tpu.memref_slice %arg9[%dma_start3A, %dma_start3A_30] : memref<80x128xf32, #tpu.memory_space<vmem>> -> memref<16x128xf32, #tpu.memory_space<vmem>>
        %dma_start3A_32 = arith.constant 9984 : i32
        %dma_start3A_33 = arith.constant 0 : i32
        %dma_start3A_34 = tpu.memref_slice %arg10[%dma_start3A_32, %dma_start3A_33] : memref<10000x128xf32, #tpu.memory_space<vmem_shared>> -> memref<16x128xf32, #tpu.memory_space<vmem_shared>>
        %dma_start3A_35 = arith.constant 0 : i32
        %dma_start3A_36 = arith.constant 0 : i32
        %dma_start3A_37 = tpu.memref_slice %arg9[%dma_start3A_35, %dma_start3A_36] : memref<80x128xf32, #tpu.memory_space<vmem>> -> memref<16x128xf32, #tpu.memory_space<vmem>>
        %dma_start3A_38 = arith.constant 9984 : i32
        %dma_start3A_39 = arith.constant 0 : i32
        %dma_start3A_40 = tpu.memref_slice %arg10[%dma_start3A_38, %dma_start3A_39] : memref<10000x128xf32, #tpu.memory_space<vmem_shared>> -> memref<16x128xf32, #tpu.memory_space<vmem_shared>>
        tpu.enqueue_dma source(%dma_start3A_40 : memref<16x128xf32, #tpu.memory_space<vmem_shared>>) target(%dma_start3A_37 : memref<16x128xf32, #tpu.memory_space<vmem>>) target_semaphore(%run_scoped3A : memref<!tpu.dma_semaphore, #tpu.memory_space<semaphore_mem>>)
        %dma_wait3A = arith.constant 0 : i32
        %dma_wait3A_41 = arith.constant 0 : i32
        %dma_wait3A_42 = tpu.memref_slice %arg9[%dma_wait3A, %dma_wait3A_41] : memref<80x128xf32, #tpu.memory_space<vmem>> -> memref<16x128xf32, #tpu.memory_space<vmem>>
        %dma_wait3A_43 = arith.constant 9984 : i32
        %dma_wait3A_44 = arith.constant 0 : i32
        %dma_wait3A_45 = tpu.memref_slice %arg10[%dma_wait3A_43, %dma_wait3A_44] : memref<10000x128xf32, #tpu.memory_space<vmem_shared>> -> memref<16x128xf32, #tpu.memory_space<vmem_shared>>
        %dma_wait3A_46 = arith.constant 0 : i32
        %dma_wait3A_47 = arith.constant 0 : i32
        %dma_wait3A_48 = tpu.memref_slice %arg9[%dma_wait3A_46, %dma_wait3A_47] : memref<80x128xf32, #tpu.memory_space<vmem>> -> memref<16x128xf32, #tpu.memory_space<vmem>>
        %dma_wait3A_49 = arith.constant 9984 : i32
        %dma_wait3A_50 = arith.constant 0 : i32
        %dma_wait3A_51 = tpu.memref_slice %arg10[%dma_wait3A_49, %dma_wait3A_50] : memref<10000x128xf32, #tpu.memory_space<vmem_shared>> -> memref<16x128xf32, #tpu.memory_space<vmem_shared>>
        tpu.wait_dma2 semaphore(%run_scoped3A : memref<!tpu.dma_semaphore, #tpu.memory_space<semaphore_mem>>) src(%dma_wait3A_51 : memref<16x128xf32, #tpu.memory_space<vmem_shared>>) dst(%dma_wait3A_48 : memref<16x128xf32, #tpu.memory_space<vmem>>)
        tpu.yield
      }) : () -> ()
      "tpu.region"() ({
        %run_scoped3A = tpu.sem_alloc : memref<!tpu.dma_semaphore, #tpu.memory_space<semaphore_mem>>
        %dma_start3A = arith.constant 0 : i32
        %dma_start3A_30 = arith.constant 0 : i32
        %dma_start3A_31 = tpu.memref_slice %arg9[%dma_start3A, %dma_start3A_30] : memref<80x128xf32, #tpu.memory_space<vmem>> -> memref<16x128xf32, #tpu.memory_space<vmem>>
        %dma_start3A_32 = arith.constant 9984 : i32
        %dma_start3A_33 = arith.constant 0 : i32
        %dma_start3A_34 = tpu.memref_slice %arg6[%arg0, %dma_start3A_32, %dma_start3A_33] : memref<2x10000x128xf32, #tpu.memory_space<hbm>> -> memref<1x16x128xf32, #tpu.memory_space<hbm>>
        %dma_start3A_35 = tpu.memref_squeeze %dma_start3A_34 : memref<1x16x128xf32, #tpu.memory_space<hbm>> -> memref<16x128xf32, #tpu.memory_space<hbm>>
        %dma_start3A_36 = arith.constant 9984 : i32
        %dma_start3A_37 = arith.constant 0 : i32
        %dma_start3A_38 = tpu.memref_slice %arg6[%arg0, %dma_start3A_36, %dma_start3A_37] : memref<2x10000x128xf32, #tpu.memory_space<hbm>> -> memref<1x16x128xf32, #tpu.memory_space<hbm>>
        %dma_start3A_39 = tpu.memref_squeeze %dma_start3A_38 : memref<1x16x128xf32, #tpu.memory_space<hbm>> -> memref<16x128xf32, #tpu.memory_space<hbm>>
        %dma_start3A_40 = arith.constant 0 : i32
        %dma_start3A_41 = arith.constant 0 : i32
        %dma_start3A_42 = tpu.memref_slice %arg9[%dma_start3A_40, %dma_start3A_41] : memref<80x128xf32, #tpu.memory_space<vmem>> -> memref<16x128xf32, #tpu.memory_space<vmem>>
        tpu.enqueue_dma source(%dma_start3A_42 : memref<16x128xf32, #tpu.memory_space<vmem>>) target(%dma_start3A_39 : memref<16x128xf32, #tpu.memory_space<hbm>>) target_semaphore(%run_scoped3A : memref<!tpu.dma_semaphore, #tpu.memory_space<semaphore_mem>>)
        %dma_wait3A = arith.constant 0 : i32
        %dma_wait3A_43 = arith.constant 0 : i32
        %dma_wait3A_44 = tpu.memref_slice %arg9[%dma_wait3A, %dma_wait3A_43] : memref<80x128xf32, #tpu.memory_space<vmem>> -> memref<16x128xf32, #tpu.memory_space<vmem>>
        %dma_wait3A_45 = arith.constant 9984 : i32
        %dma_wait3A_46 = arith.constant 0 : i32
        %dma_wait3A_47 = tpu.memref_slice %arg6[%arg0, %dma_wait3A_45, %dma_wait3A_46] : memref<2x10000x128xf32, #tpu.memory_space<hbm>> -> memref<1x16x128xf32, #tpu.memory_space<hbm>>
        %dma_wait3A_48 = tpu.memref_squeeze %dma_wait3A_47 : memref<1x16x128xf32, #tpu.memory_space<hbm>> -> memref<16x128xf32, #tpu.memory_space<hbm>>
        %dma_wait3A_49 = arith.constant 9984 : i32
        %dma_wait3A_50 = arith.constant 0 : i32
        %dma_wait3A_51 = tpu.memref_slice %arg6[%arg0, %dma_wait3A_49, %dma_wait3A_50] : memref<2x10000x128xf32, #tpu.memory_space<hbm>> -> memref<1x16x128xf32, #tpu.memory_space<hbm>>
        %dma_wait3A_52 = tpu.memref_squeeze %dma_wait3A_51 : memref<1x16x128xf32, #tpu.memory_space<hbm>> -> memref<16x128xf32, #tpu.memory_space<hbm>>
        %dma_wait3A_53 = arith.constant 0 : i32
        %dma_wait3A_54 = arith.constant 0 : i32
        %dma_wait3A_55 = tpu.memref_slice %arg9[%dma_wait3A_53, %dma_wait3A_54] : memref<80x128xf32, #tpu.memory_space<vmem>> -> memref<16x128xf32, #tpu.memory_space<vmem>>
        tpu.wait_dma2 semaphore(%run_scoped3A : memref<!tpu.dma_semaphore, #tpu.memory_space<semaphore_mem>>) src(%dma_wait3A_55 : memref<16x128xf32, #tpu.memory_space<vmem>>) dst(%dma_wait3A_52 : memref<16x128xf32, #tpu.memory_space<hbm>>)
        tpu.yield
      }) : () -> ()
    } else {
    }
    return
  }
}

#map = affine_map<(d0, d1) -> (0, 0)>
#map1 = affine_map<(d0, d1) -> (0)>
#map2 = affine_map<(d0, d1) -> (0, 0, 0)>
module attributes {stable_mosaic.version = 14 : i64} {
  func.func @body(%arg0: i32, %arg1: i32, %arg2: memref<10000x128xf32, #tpu.memory_space<hbm>>, %arg3: memref<320000xi32, #tpu.memory_space<hbm>>, %arg4: memref<320000xi32, #tpu.memory_space<hbm>>, %arg5: memref<48x128xf32, #tpu.memory_space<hbm>>, %arg6: memref<2x10000x128xf32, #tpu.memory_space<hbm>>, %arg7: memref<80xi32, #tpu.memory_space<vmem>>, %arg8: memref<80xi32, #tpu.memory_space<vmem>>, %arg9: memref<80x128xf32, #tpu.memory_space<vmem>>, %arg10: memref<10000x128xf32, #tpu.memory_space<vmem_shared>>, %arg11: memref<!tpu.dma_semaphore, #tpu.memory_space<semaphore_mem>>) attributes {dimension_semantics = [#tpu.dimension_semantics<core_parallel>, #tpu.dimension_semantics<subcore_parallel>], iteration_bounds = array<i64: 2, 16>, scalar_prefetch = 0 : i64, scratch_operands = 5 : i64, tpu.core_type = #tpu.core_type<sc_vector_subcore>, window_params = [{transform_indices = #map}, {transform_indices = #map1}, {transform_indices = #map1}, {transform_indices = #map}, {transform_indices = #map2}]} {
    %mul3A = arith.constant 16 : i32
    %mul3A_0 = arith.muli %arg0, %mul3A : i32
    %add3A = arith.addi %mul3A_0, %arg1 : i32
    %mul3A_1 = arith.constant 624 : i32
    %mul3A_2 = arith.muli %arg1, %mul3A_1 : i32
    "tpu.region"() ({
      %run_scoped3A = tpu.sem_alloc : memref<!tpu.dma_semaphore, #tpu.memory_space<semaphore_mem>>
      %dma_start3A = arith.constant 0 : i32
      %dma_start3A_30 = arith.constant 0 : i32
      %dma_start3A_31 = tpu.memref_slice %arg9[%dma_start3A, %dma_start3A_30] : memref<80x128xf32, #tpu.memory_space<vmem>> -> memref<48x128xf32, #tpu.memory_space<vmem>>
      %dma_start3A_32 = arith.constant 0 : i32
      %dma_start3A_33 = arith.constant 0 : i32
      %dma_start3A_34 = tpu.memref_slice %arg9[%dma_start3A_32, %dma_start3A_33] : memref<80x128xf32, #tpu.memory_space<vmem>> -> memref<48x128xf32, #tpu.memory_space<vmem>>
      tpu.enqueue_dma source(%arg5 : memref<48x128xf32, #tpu.memory_space<hbm>>) target(%dma_start3A_34 : memref<48x128xf32, #tpu.memory_space<vmem>>) target_semaphore(%run_scoped3A : memref<!tpu.dma_semaphore, #tpu.memory_space<semaphore_mem>>)
      %dma_wait3A = arith.constant 0 : i32
      %dma_wait3A_35 = arith.constant 0 : i32
      %dma_wait3A_36 = tpu.memref_slice %arg9[%dma_wait3A, %dma_wait3A_35] : memref<80x128xf32, #tpu.memory_space<vmem>> -> memref<48x128xf32, #tpu.memory_space<vmem>>
      %dma_wait3A_37 = arith.constant 0 : i32
      %dma_wait3A_38 = arith.constant 0 : i32
      %dma_wait3A_39 = tpu.memref_slice %arg9[%dma_wait3A_37, %dma_wait3A_38] : memref<80x128xf32, #tpu.memory_space<vmem>> -> memref<48x128xf32, #tpu.memory_space<vmem>>
      tpu.wait_dma2 semaphore(%run_scoped3A : memref<!tpu.dma_semaphore, #tpu.memory_space<semaphore_mem>>) src(%arg5 : memref<48x128xf32, #tpu.memory_space<hbm>>) dst(%dma_wait3A_39 : memref<48x128xf32, #tpu.memory_space<vmem>>)
      tpu.yield
    }) : () -> ()
    %scan3A = arith.constant 0 : i32
    %scan3A_3 = arith.constant 0 : i32
    %scan3A_4 = arith.constant 13 : i32
    %scan3A_5 = arith.addi %scan3A_3, %scan3A_4 : i32
    %scan3A_6 = arith.constant 1 : i32
    scf.for %scan3A_30 = %scan3A_3 to %scan3A_5 step %scan3A_6  : i32 {
      %mul3A_31 = arith.constant 48 : i32
      %mul3A_32 = arith.muli %scan3A_30, %mul3A_31 : i32
      %add3A_33 = arith.addi %mul3A_2, %mul3A_32 : i32
      "tpu.region"() ({
        %run_scoped3A = tpu.sem_alloc : memref<!tpu.dma_semaphore, #tpu.memory_space<semaphore_mem>>
        %dma_start3A = arith.constant 0 : i32
        %dma_start3A_34 = arith.constant 0 : i32
        %dma_start3A_35 = tpu.memref_slice %arg9[%dma_start3A, %dma_start3A_34] : memref<80x128xf32, #tpu.memory_space<vmem>> -> memref<48x128xf32, #tpu.memory_space<vmem>>
        %dma_start3A_36 = arith.constant 0 : i32
        %dma_start3A_37 = tpu.memref_slice %arg10[%add3A_33, %dma_start3A_36] : memref<10000x128xf32, #tpu.memory_space<vmem_shared>> -> memref<48x128xf32, #tpu.memory_space<vmem_shared>>
        %dma_start3A_38 = arith.constant 0 : i32
        %dma_start3A_39 = tpu.memref_slice %arg10[%add3A_33, %dma_start3A_38] : memref<10000x128xf32, #tpu.memory_space<vmem_shared>> -> memref<48x128xf32, #tpu.memory_space<vmem_shared>>
        %dma_start3A_40 = arith.constant 0 : i32
        %dma_start3A_41 = arith.constant 0 : i32
        %dma_start3A_42 = tpu.memref_slice %arg9[%dma_start3A_40, %dma_start3A_41] : memref<80x128xf32, #tpu.memory_space<vmem>> -> memref<48x128xf32, #tpu.memory_space<vmem>>
        tpu.enqueue_dma source(%dma_start3A_42 : memref<48x128xf32, #tpu.memory_space<vmem>>) target(%dma_start3A_39 : memref<48x128xf32, #tpu.memory_space<vmem_shared>>) target_semaphore(%run_scoped3A : memref<!tpu.dma_semaphore, #tpu.memory_space<semaphore_mem>>)
        %dma_wait3A = arith.constant 0 : i32
        %dma_wait3A_43 = arith.constant 0 : i32
        %dma_wait3A_44 = tpu.memref_slice %arg9[%dma_wait3A, %dma_wait3A_43] : memref<80x128xf32, #tpu.memory_space<vmem>> -> memref<48x128xf32, #tpu.memory_space<vmem>>
        %dma_wait3A_45 = arith.constant 0 : i32
        %dma_wait3A_46 = tpu.memref_slice %arg10[%add3A_33, %dma_wait3A_45] : memref<10000x128xf32, #tpu.memory_space<vmem_shared>> -> memref<48x128xf32, #tpu.memory_space<vmem_shared>>
        %dma_wait3A_47 = arith.constant 0 : i32
        %dma_wait3A_48 = tpu.memref_slice %arg10[%add3A_33, %dma_wait3A_47] : memref<10000x128xf32, #tpu.memory_space<vmem_shared>> -> memref<48x128xf32, #tpu.memory_space<vmem_shared>>
        %dma_wait3A_49 = arith.constant 0 : i32
        %dma_wait3A_50 = arith.constant 0 : i32
        %dma_wait3A_51 = tpu.memref_slice %arg9[%dma_wait3A_49, %dma_wait3A_50] : memref<80x128xf32, #tpu.memory_space<vmem>> -> memref<48x128xf32, #tpu.memory_space<vmem>>
        tpu.wait_dma2 semaphore(%run_scoped3A : memref<!tpu.dma_semaphore, #tpu.memory_space<semaphore_mem>>) src(%dma_wait3A_51 : memref<48x128xf32, #tpu.memory_space<vmem>>) dst(%dma_wait3A_48 : memref<48x128xf32, #tpu.memory_space<vmem_shared>>)
        tpu.yield
      }) : () -> ()
    }
    %scan3A_7 = arith.constant 13 : i32
    %eq3A = arith.constant 15 : i32
    %eq3A_8 = arith.cmpi eq, %arg1, %eq3A : i32
    %convert_element_type3A = arith.extui %eq3A_8 : i1 to i32
    %cond3A = arith.constant 0 : i32
    %cond3A_9 = arith.cmpi ne, %convert_element_type3A, %cond3A : i32
    scf.if %cond3A_9 {
      "tpu.region"() ({
        %run_scoped3A = tpu.sem_alloc : memref<!tpu.dma_semaphore, #tpu.memory_space<semaphore_mem>>
        %dma_start3A = arith.constant 0 : i32
        %dma_start3A_30 = arith.constant 0 : i32
        %dma_start3A_31 = tpu.memref_slice %arg9[%dma_start3A, %dma_start3A_30] : memref<80x128xf32, #tpu.memory_space<vmem>> -> memref<16x128xf32, #tpu.memory_space<vmem>>
        %dma_start3A_32 = arith.constant 9984 : i32
        %dma_start3A_33 = arith.constant 0 : i32
        %dma_start3A_34 = tpu.memref_slice %arg10[%dma_start3A_32, %dma_start3A_33] : memref<10000x128xf32, #tpu.memory_space<vmem_shared>> -> memref<16x128xf32, #tpu.memory_space<vmem_shared>>
        %dma_start3A_35 = arith.constant 9984 : i32
        %dma_start3A_36 = arith.constant 0 : i32
        %dma_start3A_37 = tpu.memref_slice %arg10[%dma_start3A_35, %dma_start3A_36] : memref<10000x128xf32, #tpu.memory_space<vmem_shared>> -> memref<16x128xf32, #tpu.memory_space<vmem_shared>>
        %dma_start3A_38 = arith.constant 0 : i32
        %dma_start3A_39 = arith.constant 0 : i32
        %dma_start3A_40 = tpu.memref_slice %arg9[%dma_start3A_38, %dma_start3A_39] : memref<80x128xf32, #tpu.memory_space<vmem>> -> memref<16x128xf32, #tpu.memory_space<vmem>>
        tpu.enqueue_dma source(%dma_start3A_40 : memref<16x128xf32, #tpu.memory_space<vmem>>) target(%dma_start3A_37 : memref<16x128xf32, #tpu.memory_space<vmem_shared>>) target_semaphore(%run_scoped3A : memref<!tpu.dma_semaphore, #tpu.memory_space<semaphore_mem>>)
        %dma_wait3A = arith.constant 0 : i32
        %dma_wait3A_41 = arith.constant 0 : i32
        %dma_wait3A_42 = tpu.memref_slice %arg9[%dma_wait3A, %dma_wait3A_41] : memref<80x128xf32, #tpu.memory_space<vmem>> -> memref<16x128xf32, #tpu.memory_space<vmem>>
        %dma_wait3A_43 = arith.constant 9984 : i32
        %dma_wait3A_44 = arith.constant 0 : i32
        %dma_wait3A_45 = tpu.memref_slice %arg10[%dma_wait3A_43, %dma_wait3A_44] : memref<10000x128xf32, #tpu.memory_space<vmem_shared>> -> memref<16x128xf32, #tpu.memory_space<vmem_shared>>
        %dma_wait3A_46 = arith.constant 9984 : i32
        %dma_wait3A_47 = arith.constant 0 : i32
        %dma_wait3A_48 = tpu.memref_slice %arg10[%dma_wait3A_46, %dma_wait3A_47] : memref<10000x128xf32, #tpu.memory_space<vmem_shared>> -> memref<16x128xf32, #tpu.memory_space<vmem_shared>>
        %dma_wait3A_49 = arith.constant 0 : i32
        %dma_wait3A_50 = arith.constant 0 : i32
        %dma_wait3A_51 = tpu.memref_slice %arg9[%dma_wait3A_49, %dma_wait3A_50] : memref<80x128xf32, #tpu.memory_space<vmem>> -> memref<16x128xf32, #tpu.memory_space<vmem>>
        tpu.wait_dma2 semaphore(%run_scoped3A : memref<!tpu.dma_semaphore, #tpu.memory_space<semaphore_mem>>) src(%dma_wait3A_51 : memref<16x128xf32, #tpu.memory_space<vmem>>) dst(%dma_wait3A_48 : memref<16x128xf32, #tpu.memory_space<vmem_shared>>)
        tpu.yield
      }) : () -> ()
    } else {
    }
    %barrier3A = arith.constant 0 : index
    tpu.barrier barrier_id(%barrier3A)
    %mul3A_10 = arith.constant 10000 : i32
    %mul3A_11 = arith.muli %add3A, %mul3A_10 : i32
    %scan3A_12 = arith.constant 0 : i32
    %scan3A_13 = arith.constant 0 : i32
    %scan3A_14 = arith.constant 125 : i32
    %scan3A_15 = arith.addi %scan3A_13, %scan3A_14 : i32
    %scan3A_16 = arith.constant 1 : i32
    scf.for %scan3A_30 = %scan3A_13 to %scan3A_15 step %scan3A_16  : i32 {
      %mul3A_31 = arith.constant 80 : i32
      %mul3A_32 = arith.muli %scan3A_30, %mul3A_31 : i32
      %add3A_33 = arith.addi %mul3A_11, %mul3A_32 : i32
      "tpu.region"() ({
        %run_scoped3A = tpu.sem_alloc : memref<!tpu.dma_semaphore, #tpu.memory_space<semaphore_mem>>
        %dma_start3A_38 = tpu.memref_slice %arg3[%add3A_33] : memref<320000xi32, #tpu.memory_space<hbm>> -> memref<80xi32, #tpu.memory_space<hbm>>
        %dma_start3A_39 = tpu.memref_slice %arg3[%add3A_33] : memref<320000xi32, #tpu.memory_space<hbm>> -> memref<80xi32, #tpu.memory_space<hbm>>
        tpu.enqueue_dma source(%dma_start3A_39 : memref<80xi32, #tpu.memory_space<hbm>>) target(%arg7 : memref<80xi32, #tpu.memory_space<vmem>>) target_semaphore(%run_scoped3A : memref<!tpu.dma_semaphore, #tpu.memory_space<semaphore_mem>>)
        %dma_wait3A_40 = tpu.memref_slice %arg3[%add3A_33] : memref<320000xi32, #tpu.memory_space<hbm>> -> memref<80xi32, #tpu.memory_space<hbm>>
        %dma_wait3A_41 = tpu.memref_slice %arg3[%add3A_33] : memref<320000xi32, #tpu.memory_space<hbm>> -> memref<80xi32, #tpu.memory_space<hbm>>
        tpu.wait_dma2 semaphore(%run_scoped3A : memref<!tpu.dma_semaphore, #tpu.memory_space<semaphore_mem>>) src(%dma_wait3A_41 : memref<80xi32, #tpu.memory_space<hbm>>) dst(%arg7 : memref<80xi32, #tpu.memory_space<vmem>>)
        tpu.yield
      }) : () -> ()
      "tpu.region"() ({
        %run_scoped3A = tpu.sem_alloc : memref<!tpu.dma_semaphore, #tpu.memory_space<semaphore_mem>>
        %dma_start3A_38 = tpu.memref_slice %arg4[%add3A_33] : memref<320000xi32, #tpu.memory_space<hbm>> -> memref<80xi32, #tpu.memory_space<hbm>>
        %dma_start3A_39 = tpu.memref_slice %arg4[%add3A_33] : memref<320000xi32, #tpu.memory_space<hbm>> -> memref<80xi32, #tpu.memory_space<hbm>>
        tpu.enqueue_dma source(%dma_start3A_39 : memref<80xi32, #tpu.memory_space<hbm>>) target(%arg8 : memref<80xi32, #tpu.memory_space<vmem>>) target_semaphore(%run_scoped3A : memref<!tpu.dma_semaphore, #tpu.memory_space<semaphore_mem>>)
        %dma_wait3A_40 = tpu.memref_slice %arg4[%add3A_33] : memref<320000xi32, #tpu.memory_space<hbm>> -> memref<80xi32, #tpu.memory_space<hbm>>
        %dma_wait3A_41 = tpu.memref_slice %arg4[%add3A_33] : memref<320000xi32, #tpu.memory_space<hbm>> -> memref<80xi32, #tpu.memory_space<hbm>>
        tpu.wait_dma2 semaphore(%run_scoped3A : memref<!tpu.dma_semaphore, #tpu.memory_space<semaphore_mem>>) src(%dma_wait3A_41 : memref<80xi32, #tpu.memory_space<hbm>>) dst(%arg8 : memref<80xi32, #tpu.memory_space<vmem>>)
        tpu.yield
      }) : () -> ()
      %dma_start3A = arith.constant 0 : i32
      %dma_start3A_34 = arith.constant 0 : i32
      %dma_start3A_35 = tpu.memref_slice %arg2[%dma_start3A, %dma_start3A_34] : memref<10000x128xf32, #tpu.memory_space<hbm>> -> memref<10000x128xf32, #tpu.memory_space<hbm>>
      tpu.enqueue_indirect_dma source(%dma_start3A_35 : memref<10000x128xf32, #tpu.memory_space<hbm>>) target(%arg9 : memref<80x128xf32, #tpu.memory_space<vmem>>) offsets(%arg7 : memref<80xi32, #tpu.memory_space<vmem>>) semaphore(%arg11 : memref<!tpu.dma_semaphore, #tpu.memory_space<semaphore_mem>>)
      %dma_wait3A = arith.constant 0 : i32
      %dma_wait3A_36 = arith.constant 0 : i32
      %dma_wait3A_37 = tpu.memref_slice %arg2[%dma_wait3A, %dma_wait3A_36] : memref<10000x128xf32, #tpu.memory_space<hbm>> -> memref<10000x128xf32, #tpu.memory_space<hbm>>
      tpu.wait_indirect_dma semaphore(%arg11 : memref<!tpu.dma_semaphore, #tpu.memory_space<semaphore_mem>>) src(%dma_wait3A_37 : memref<10000x128xf32, #tpu.memory_space<hbm>>) dst(%arg9 : memref<80x128xf32, #tpu.memory_space<vmem>>)
      "tpu.region"() ({
        %run_scoped3A = tpu.sem_alloc : memref<!tpu.dma_semaphore, #tpu.memory_space<semaphore_mem>>
        %dma_start3A_38 = arith.constant 0 : i32
        %dma_start3A_39 = arith.constant 0 : i32
        %dma_start3A_40 = tpu.memref_slice %arg10[%dma_start3A_38, %dma_start3A_39] : memref<10000x128xf32, #tpu.memory_space<vmem_shared>> -> memref<10000x128xf32, #tpu.memory_space<vmem_shared>>
        tpu.enqueue_indirect_dma source(%arg9 : memref<80x128xf32, #tpu.memory_space<vmem>>) target(%dma_start3A_40 : memref<10000x128xf32, #tpu.memory_space<vmem_shared>>) offsets(%arg8 : memref<80xi32, #tpu.memory_space<vmem>>) semaphore(%run_scoped3A : memref<!tpu.dma_semaphore, #tpu.memory_space<semaphore_mem>>) {add = true}
        %dma_wait3A_41 = arith.constant 0 : i32
        %dma_wait3A_42 = arith.constant 0 : i32
        %dma_wait3A_43 = tpu.memref_slice %arg10[%dma_wait3A_41, %dma_wait3A_42] : memref<10000x128xf32, #tpu.memory_space<vmem_shared>> -> memref<10000x128xf32, #tpu.memory_space<vmem_shared>>
        tpu.wait_indirect_dma semaphore(%run_scoped3A : memref<!tpu.dma_semaphore, #tpu.memory_space<semaphore_mem>>) src(%arg9 : memref<80x128xf32, #tpu.memory_space<vmem>>) dst(%dma_wait3A_43 : memref<10000x128xf32, #tpu.memory_space<vmem_shared>>)
        tpu.yield
      }) : () -> ()
    }
    %scan3A_17 = arith.constant 125 : i32
    %barrier3A_18 = arith.constant 0 : index
    tpu.barrier barrier_id(%barrier3A_18)
    %scan3A_19 = arith.constant 0 : i32
    %scan3A_20 = arith.constant 0 : i32
    %scan3A_21 = arith.constant 13 : i32
    %scan3A_22 = arith.addi %scan3A_20, %scan3A_21 : i32
    %scan3A_23 = arith.constant 1 : i32
    scf.for %scan3A_30 = %scan3A_20 to %scan3A_22 step %scan3A_23  : i32 {
      %mul3A_31 = arith.constant 48 : i32
      %mul3A_32 = arith.muli %scan3A_30, %mul3A_31 : i32
      %add3A_33 = arith.addi %mul3A_2, %mul3A_32 : i32
      "tpu.region"() ({
        %run_scoped3A = tpu.sem_alloc : memref<!tpu.dma_semaphore, #tpu.memory_space<semaphore_mem>>
        %dma_start3A = arith.constant 0 : i32
        %dma_start3A_37 = arith.constant 0 : i32
        %dma_start3A_38 = tpu.memref_slice %arg9[%dma_start3A, %dma_start3A_37] : memref<80x128xf32, #tpu.memory_space<vmem>> -> memref<48x128xf32, #tpu.memory_space<vmem>>
        %dma_start3A_39 = arith.constant 0 : i32
        %dma_start3A_40 = tpu.memref_slice %arg10[%add3A_33, %dma_start3A_39] : memref<10000x128xf32, #tpu.memory_space<vmem_shared>> -> memref<48x128xf32, #tpu.memory_space<vmem_shared>>
        %dma_start3A_41 = arith.constant 0 : i32
        %dma_start3A_42 = arith.constant 0 : i32
        %dma_start3A_43 = tpu.memref_slice %arg9[%dma_start3A_41, %dma_start3A_42] : memref<80x128xf32, #tpu.memory_space<vmem>> -> memref<48x128xf32, #tpu.memory_space<vmem>>
        %dma_start3A_44 = arith.constant 0 : i32
        %dma_start3A_45 = tpu.memref_slice %arg10[%add3A_33, %dma_start3A_44] : memref<10000x128xf32, #tpu.memory_space<vmem_shared>> -> memref<48x128xf32, #tpu.memory_space<vmem_shared>>
        tpu.enqueue_dma source(%dma_start3A_45 : memref<48x128xf32, #tpu.memory_space<vmem_shared>>) target(%dma_start3A_43 : memref<48x128xf32, #tpu.memory_space<vmem>>) target_semaphore(%run_scoped3A : memref<!tpu.dma_semaphore, #tpu.memory_space<semaphore_mem>>)
        %dma_wait3A = arith.constant 0 : i32
        %dma_wait3A_46 = arith.constant 0 : i32
        %dma_wait3A_47 = tpu.memref_slice %arg9[%dma_wait3A, %dma_wait3A_46] : memref<80x128xf32, #tpu.memory_space<vmem>> -> memref<48x128xf32, #tpu.memory_space<vmem>>
        %dma_wait3A_48 = arith.constant 0 : i32
        %dma_wait3A_49 = tpu.memref_slice %arg10[%add3A_33, %dma_wait3A_48] : memref<10000x128xf32, #tpu.memory_space<vmem_shared>> -> memref<48x128xf32, #tpu.memory_space<vmem_shared>>
        %dma_wait3A_50 = arith.constant 0 : i32
        %dma_wait3A_51 = arith.constant 0 : i32
        %dma_wait3A_52 = tpu.memref_slice %arg9[%dma_wait3A_50, %dma_wait3A_51] : memref<80x128xf32, #tpu.memory_space<vmem>> -> memref<48x128xf32, #tpu.memory_space<vmem>>
        %dma_wait3A_53 = arith.constant 0 : i32
        %dma_wait3A_54 = tpu.memref_slice %arg10[%add3A_33, %dma_wait3A_53] : memref<10000x128xf32, #tpu.memory_space<vmem_shared>> -> memref<48x128xf32, #tpu.memory_space<vmem_shared>>
        tpu.wait_dma2 semaphore(%run_scoped3A : memref<!tpu.dma_semaphore, #tpu.memory_space<semaphore_mem>>) src(%dma_wait3A_54 : memref<48x128xf32, #tpu.memory_space<vmem_shared>>) dst(%dma_wait3A_52 : memref<48x128xf32, #tpu.memory_space<vmem>>)
        tpu.yield
      }) : () -> ()
      %mul3A_34 = arith.constant 48 : i32
      %mul3A_35 = arith.muli %scan3A_30, %mul3A_34 : i32
      %add3A_36 = arith.addi %mul3A_2, %mul3A_35 : i32
      "tpu.region"() ({
        %run_scoped3A = tpu.sem_alloc : memref<!tpu.dma_semaphore, #tpu.memory_space<semaphore_mem>>
        %dma_start3A = arith.constant 0 : i32
        %dma_start3A_37 = arith.constant 0 : i32
        %dma_start3A_38 = tpu.memref_slice %arg9[%dma_start3A, %dma_start3A_37] : memref<80x128xf32, #tpu.memory_space<vmem>> -> memref<48x128xf32, #tpu.memory_space<vmem>>
        %dma_start3A_39 = arith.constant 0 : i32
        %dma_start3A_40 = tpu.memref_slice %arg6[%arg0, %add3A_36, %dma_start3A_39] : memref<2x10000x128xf32, #tpu.memory_space<hbm>> -> memref<1x48x128xf32, #tpu.memory_space<hbm>>
        %dma_start3A_41 = tpu.memref_squeeze %dma_start3A_40 : memref<1x48x128xf32, #tpu.memory_space<hbm>> -> memref<48x128xf32, #tpu.memory_space<hbm>>
        %dma_start3A_42 = arith.constant 0 : i32
        %dma_start3A_43 = tpu.memref_slice %arg6[%arg0, %add3A_36, %dma_start3A_42] : memref<2x10000x128xf32, #tpu.memory_space<hbm>> -> memref<1x48x128xf32, #tpu.memory_space<hbm>>
        %dma_start3A_44 = tpu.memref_squeeze %dma_start3A_43 : memref<1x48x128xf32, #tpu.memory_space<hbm>> -> memref<48x128xf32, #tpu.memory_space<hbm>>
        %dma_start3A_45 = arith.constant 0 : i32
        %dma_start3A_46 = arith.constant 0 : i32
        %dma_start3A_47 = tpu.memref_slice %arg9[%dma_start3A_45, %dma_start3A_46] : memref<80x128xf32, #tpu.memory_space<vmem>> -> memref<48x128xf32, #tpu.memory_space<vmem>>
        tpu.enqueue_dma source(%dma_start3A_47 : memref<48x128xf32, #tpu.memory_space<vmem>>) target(%dma_start3A_44 : memref<48x128xf32, #tpu.memory_space<hbm>>) target_semaphore(%run_scoped3A : memref<!tpu.dma_semaphore, #tpu.memory_space<semaphore_mem>>)
        %dma_wait3A = arith.constant 0 : i32
        %dma_wait3A_48 = arith.constant 0 : i32
        %dma_wait3A_49 = tpu.memref_slice %arg9[%dma_wait3A, %dma_wait3A_48] : memref<80x128xf32, #tpu.memory_space<vmem>> -> memref<48x128xf32, #tpu.memory_space<vmem>>
        %dma_wait3A_50 = arith.constant 0 : i32
        %dma_wait3A_51 = tpu.memref_slice %arg6[%arg0, %add3A_36, %dma_wait3A_50] : memref<2x10000x128xf32, #tpu.memory_space<hbm>> -> memref<1x48x128xf32, #tpu.memory_space<hbm>>
        %dma_wait3A_52 = tpu.memref_squeeze %dma_wait3A_51 : memref<1x48x128xf32, #tpu.memory_space<hbm>> -> memref<48x128xf32, #tpu.memory_space<hbm>>
        %dma_wait3A_53 = arith.constant 0 : i32
        %dma_wait3A_54 = tpu.memref_slice %arg6[%arg0, %add3A_36, %dma_wait3A_53] : memref<2x10000x128xf32, #tpu.memory_space<hbm>> -> memref<1x48x128xf32, #tpu.memory_space<hbm>>
        %dma_wait3A_55 = tpu.memref_squeeze %dma_wait3A_54 : memref<1x48x128xf32, #tpu.memory_space<hbm>> -> memref<48x128xf32, #tpu.memory_space<hbm>>
        %dma_wait3A_56 = arith.constant 0 : i32
        %dma_wait3A_57 = arith.constant 0 : i32
        %dma_wait3A_58 = tpu.memref_slice %arg9[%dma_wait3A_56, %dma_wait3A_57] : memref<80x128xf32, #tpu.memory_space<vmem>> -> memref<48x128xf32, #tpu.memory_space<vmem>>
        tpu.wait_dma2 semaphore(%run_scoped3A : memref<!tpu.dma_semaphore, #tpu.memory_space<semaphore_mem>>) src(%dma_wait3A_58 : memref<48x128xf32, #tpu.memory_space<vmem>>) dst(%dma_wait3A_55 : memref<48x128xf32, #tpu.memory_space<hbm>>)
        tpu.yield
      }) : () -> ()
    }
    %scan3A_24 = arith.constant 13 : i32
    %eq3A_25 = arith.constant 15 : i32
    %eq3A_26 = arith.cmpi eq, %arg1, %eq3A_25 : i32
    %convert_element_type3A_27 = arith.extui %eq3A_26 : i1 to i32
    %cond3A_28 = arith.constant 0 : i32
    %cond3A_29 = arith.cmpi ne, %convert_element_type3A_27, %cond3A_28 : i32
    scf.if %cond3A_29 {
      "tpu.region"() ({
        %run_scoped3A = tpu.sem_alloc : memref<!tpu.dma_semaphore, #tpu.memory_space<semaphore_mem>>
        %dma_start3A = arith.constant 0 : i32
        %dma_start3A_30 = arith.constant 0 : i32
        %dma_start3A_31 = tpu.memref_slice %arg9[%dma_start3A, %dma_start3A_30] : memref<80x128xf32, #tpu.memory_space<vmem>> -> memref<16x128xf32, #tpu.memory_space<vmem>>
        %dma_start3A_32 = arith.constant 9984 : i32
        %dma_start3A_33 = arith.constant 0 : i32
        %dma_start3A_34 = tpu.memref_slice %arg10[%dma_start3A_32, %dma_start3A_33] : memref<10000x128xf32, #tpu.memory_space<vmem_shared>> -> memref<16x128xf32, #tpu.memory_space<vmem_shared>>
        %dma_start3A_35 = arith.constant 0 : i32
        %dma_start3A_36 = arith.constant 0 : i32
        %dma_start3A_37 = tpu.memref_slice %arg9[%dma_start3A_35, %dma_start3A_36] : memref<80x128xf32, #tpu.memory_space<vmem>> -> memref<16x128xf32, #tpu.memory_space<vmem>>
        %dma_start3A_38 = arith.constant 9984 : i32
        %dma_start3A_39 = arith.constant 0 : i32
        %dma_start3A_40 = tpu.memref_slice %arg10[%dma_start3A_38, %dma_start3A_39] : memref<10000x128xf32, #tpu.memory_space<vmem_shared>> -> memref<16x128xf32, #tpu.memory_space<vmem_shared>>
        tpu.enqueue_dma source(%dma_start3A_40 : memref<16x128xf32, #tpu.memory_space<vmem_shared>>) target(%dma_start3A_37 : memref<16x128xf32, #tpu.memory_space<vmem>>) target_semaphore(%run_scoped3A : memref<!tpu.dma_semaphore, #tpu.memory_space<semaphore_mem>>)
        %dma_wait3A = arith.constant 0 : i32
        %dma_wait3A_41 = arith.constant 0 : i32
        %dma_wait3A_42 = tpu.memref_slice %arg9[%dma_wait3A, %dma_wait3A_41] : memref<80x128xf32, #tpu.memory_space<vmem>> -> memref<16x128xf32, #tpu.memory_space<vmem>>
        %dma_wait3A_43 = arith.constant 9984 : i32
        %dma_wait3A_44 = arith.constant 0 : i32
        %dma_wait3A_45 = tpu.memref_slice %arg10[%dma_wait3A_43, %dma_wait3A_44] : memref<10000x128xf32, #tpu.memory_space<vmem_shared>> -> memref<16x128xf32, #tpu.memory_space<vmem_shared>>
        %dma_wait3A_46 = arith.constant 0 : i32
        %dma_wait3A_47 = arith.constant 0 : i32
        %dma_wait3A_48 = tpu.memref_slice %arg9[%dma_wait3A_46, %dma_wait3A_47] : memref<80x128xf32, #tpu.memory_space<vmem>> -> memref<16x128xf32, #tpu.memory_space<vmem>>
        %dma_wait3A_49 = arith.constant 9984 : i32
        %dma_wait3A_50 = arith.constant 0 : i32
        %dma_wait3A_51 = tpu.memref_slice %arg10[%dma_wait3A_49, %dma_wait3A_50] : memref<10000x128xf32, #tpu.memory_space<vmem_shared>> -> memref<16x128xf32, #tpu.memory_space<vmem_shared>>
        tpu.wait_dma2 semaphore(%run_scoped3A : memref<!tpu.dma_semaphore, #tpu.memory_space<semaphore_mem>>) src(%dma_wait3A_51 : memref<16x128xf32, #tpu.memory_space<vmem_shared>>) dst(%dma_wait3A_48 : memref<16x128xf32, #tpu.memory_space<vmem>>)
        tpu.yield
      }) : () -> ()
      "tpu.region"() ({
        %run_scoped3A = tpu.sem_alloc : memref<!tpu.dma_semaphore, #tpu.memory_space<semaphore_mem>>
        %dma_start3A = arith.constant 0 : i32
        %dma_start3A_30 = arith.constant 0 : i32
        %dma_start3A_31 = tpu.memref_slice %arg9[%dma_start3A, %dma_start3A_30] : memref<80x128xf32, #tpu.memory_space<vmem>> -> memref<16x128xf32, #tpu.memory_space<vmem>>
        %dma_start3A_32 = arith.constant 9984 : i32
        %dma_start3A_33 = arith.constant 0 : i32
        %dma_start3A_34 = tpu.memref_slice %arg6[%arg0, %dma_start3A_32, %dma_start3A_33] : memref<2x10000x128xf32, #tpu.memory_space<hbm>> -> memref<1x16x128xf32, #tpu.memory_space<hbm>>
        %dma_start3A_35 = tpu.memref_squeeze %dma_start3A_34 : memref<1x16x128xf32, #tpu.memory_space<hbm>> -> memref<16x128xf32, #tpu.memory_space<hbm>>
        %dma_start3A_36 = arith.constant 9984 : i32
        %dma_start3A_37 = arith.constant 0 : i32
        %dma_start3A_38 = tpu.memref_slice %arg6[%arg0, %dma_start3A_36, %dma_start3A_37] : memref<2x10000x128xf32, #tpu.memory_space<hbm>> -> memref<1x16x128xf32, #tpu.memory_space<hbm>>
        %dma_start3A_39 = tpu.memref_squeeze %dma_start3A_38 : memref<1x16x128xf32, #tpu.memory_space<hbm>> -> memref<16x128xf32, #tpu.memory_space<hbm>>
        %dma_start3A_40 = arith.constant 0 : i32
        %dma_start3A_41 = arith.constant 0 : i32
        %dma_start3A_42 = tpu.memref_slice %arg9[%dma_start3A_40, %dma_start3A_41] : memref<80x128xf32, #tpu.memory_space<vmem>> -> memref<16x128xf32, #tpu.memory_space<vmem>>
        tpu.enqueue_dma source(%dma_start3A_42 : memref<16x128xf32, #tpu.memory_space<vmem>>) target(%dma_start3A_39 : memref<16x128xf32, #tpu.memory_space<hbm>>) target_semaphore(%run_scoped3A : memref<!tpu.dma_semaphore, #tpu.memory_space<semaphore_mem>>)
        %dma_wait3A = arith.constant 0 : i32
        %dma_wait3A_43 = arith.constant 0 : i32
        %dma_wait3A_44 = tpu.memref_slice %arg9[%dma_wait3A, %dma_wait3A_43] : memref<80x128xf32, #tpu.memory_space<vmem>> -> memref<16x128xf32, #tpu.memory_space<vmem>>
        %dma_wait3A_45 = arith.constant 9984 : i32
        %dma_wait3A_46 = arith.constant 0 : i32
        %dma_wait3A_47 = tpu.memref_slice %arg6[%arg0, %dma_wait3A_45, %dma_wait3A_46] : memref<2x10000x128xf32, #tpu.memory_space<hbm>> -> memref<1x16x128xf32, #tpu.memory_space<hbm>>
        %dma_wait3A_48 = tpu.memref_squeeze %dma_wait3A_47 : memref<1x16x128xf32, #tpu.memory_space<hbm>> -> memref<16x128xf32, #tpu.memory_space<hbm>>
        %dma_wait3A_49 = arith.constant 9984 : i32
        %dma_wait3A_50 = arith.constant 0 : i32
        %dma_wait3A_51 = tpu.memref_slice %arg6[%arg0, %dma_wait3A_49, %dma_wait3A_50] : memref<2x10000x128xf32, #tpu.memory_space<hbm>> -> memref<1x16x128xf32, #tpu.memory_space<hbm>>
        %dma_wait3A_52 = tpu.memref_squeeze %dma_wait3A_51 : memref<1x16x128xf32, #tpu.memory_space<hbm>> -> memref<16x128xf32, #tpu.memory_space<hbm>>
        %dma_wait3A_53 = arith.constant 0 : i32
        %dma_wait3A_54 = arith.constant 0 : i32
        %dma_wait3A_55 = tpu.memref_slice %arg9[%dma_wait3A_53, %dma_wait3A_54] : memref<80x128xf32, #tpu.memory_space<vmem>> -> memref<16x128xf32, #tpu.memory_space<vmem>>
        tpu.wait_dma2 semaphore(%run_scoped3A : memref<!tpu.dma_semaphore, #tpu.memory_space<semaphore_mem>>) src(%dma_wait3A_55 : memref<16x128xf32, #tpu.memory_space<vmem>>) dst(%dma_wait3A_52 : memref<16x128xf32, #tpu.memory_space<hbm>>)
        tpu.yield
      }) : () -> ()
    } else {
    }
    return
  }
}

#map = affine_map<(d0, d1) -> (0)>
#map1 = affine_map<(d0, d1) -> (0, 0)>
#map2 = affine_map<(d0, d1) -> (0, 0, 0)>
module attributes {stable_mosaic.version = 14 : i64} {
  func.func @body(%arg0: i32, %arg1: i32, %arg2: memref<320000xi32, #tpu.memory_space<hbm>>, %arg3: memref<48x128xf32, #tpu.memory_space<hbm>>, %arg4: memref<80x128xf32, #tpu.memory_space<hbm>>, %arg5: memref<2x10000x128xf32, #tpu.memory_space<hbm>>, %arg6: memref<80xi32, #tpu.memory_space<vmem>>, %arg7: memref<80x128xf32, #tpu.memory_space<vmem>>, %arg8: memref<48x128xf32, #tpu.memory_space<vmem>>, %arg9: memref<10000x128xf32, #tpu.memory_space<vmem_shared>>, %arg10: memref<!tpu.dma_semaphore, #tpu.memory_space<semaphore_mem>>) attributes {dimension_semantics = [#tpu.dimension_semantics<core_parallel>, #tpu.dimension_semantics<subcore_parallel>], iteration_bounds = array<i64: 2, 16>, scalar_prefetch = 0 : i64, scratch_operands = 5 : i64, tpu.core_type = #tpu.core_type<sc_vector_subcore>, window_params = [{transform_indices = #map}, {transform_indices = #map1}, {transform_indices = #map1}, {transform_indices = #map2}]} {
    %mul3A = arith.constant 16 : i32
    %mul3A_0 = arith.muli %arg0, %mul3A : i32
    %add3A = arith.addi %mul3A_0, %arg1 : i32
    %mul3A_1 = arith.constant 624 : i32
    %mul3A_2 = arith.muli %arg1, %mul3A_1 : i32
    "tpu.region"() ({
      %run_scoped3A = tpu.sem_alloc : memref<!tpu.dma_semaphore, #tpu.memory_space<semaphore_mem>>
      tpu.enqueue_dma source(%arg3 : memref<48x128xf32, #tpu.memory_space<hbm>>) target(%arg8 : memref<48x128xf32, #tpu.memory_space<vmem>>) target_semaphore(%run_scoped3A : memref<!tpu.dma_semaphore, #tpu.memory_space<semaphore_mem>>)
      tpu.wait_dma2 semaphore(%run_scoped3A : memref<!tpu.dma_semaphore, #tpu.memory_space<semaphore_mem>>) src(%arg3 : memref<48x128xf32, #tpu.memory_space<hbm>>) dst(%arg8 : memref<48x128xf32, #tpu.memory_space<vmem>>)
      tpu.yield
    }) : () -> ()
    %scan3A = arith.constant 0 : i32
    %scan3A_3 = arith.constant 0 : i32
    %scan3A_4 = arith.constant 13 : i32
    %scan3A_5 = arith.addi %scan3A_3, %scan3A_4 : i32
    %scan3A_6 = arith.constant 1 : i32
    scf.for %scan3A_30 = %scan3A_3 to %scan3A_5 step %scan3A_6  : i32 {
      %mul3A_31 = arith.constant 48 : i32
      %mul3A_32 = arith.muli %scan3A_30, %mul3A_31 : i32
      %add3A_33 = arith.addi %mul3A_2, %mul3A_32 : i32
      "tpu.region"() ({
        %run_scoped3A = tpu.sem_alloc : memref<!tpu.dma_semaphore, #tpu.memory_space<semaphore_mem>>
        %dma_start3A = arith.constant 0 : i32
        %dma_start3A_34 = arith.constant 0 : i32
        %dma_start3A_35 = tpu.memref_slice %arg8[%dma_start3A, %dma_start3A_34] : memref<48x128xf32, #tpu.memory_space<vmem>> -> memref<48x128xf32, #tpu.memory_space<vmem>>
        %dma_start3A_36 = arith.constant 0 : i32
        %dma_start3A_37 = tpu.memref_slice %arg9[%add3A_33, %dma_start3A_36] : memref<10000x128xf32, #tpu.memory_space<vmem_shared>> -> memref<48x128xf32, #tpu.memory_space<vmem_shared>>
        %dma_start3A_38 = arith.constant 0 : i32
        %dma_start3A_39 = tpu.memref_slice %arg9[%add3A_33, %dma_start3A_38] : memref<10000x128xf32, #tpu.memory_space<vmem_shared>> -> memref<48x128xf32, #tpu.memory_space<vmem_shared>>
        %dma_start3A_40 = arith.constant 0 : i32
        %dma_start3A_41 = arith.constant 0 : i32
        %dma_start3A_42 = tpu.memref_slice %arg8[%dma_start3A_40, %dma_start3A_41] : memref<48x128xf32, #tpu.memory_space<vmem>> -> memref<48x128xf32, #tpu.memory_space<vmem>>
        tpu.enqueue_dma source(%dma_start3A_42 : memref<48x128xf32, #tpu.memory_space<vmem>>) target(%dma_start3A_39 : memref<48x128xf32, #tpu.memory_space<vmem_shared>>) target_semaphore(%run_scoped3A : memref<!tpu.dma_semaphore, #tpu.memory_space<semaphore_mem>>)
        %dma_wait3A = arith.constant 0 : i32
        %dma_wait3A_43 = arith.constant 0 : i32
        %dma_wait3A_44 = tpu.memref_slice %arg8[%dma_wait3A, %dma_wait3A_43] : memref<48x128xf32, #tpu.memory_space<vmem>> -> memref<48x128xf32, #tpu.memory_space<vmem>>
        %dma_wait3A_45 = arith.constant 0 : i32
        %dma_wait3A_46 = tpu.memref_slice %arg9[%add3A_33, %dma_wait3A_45] : memref<10000x128xf32, #tpu.memory_space<vmem_shared>> -> memref<48x128xf32, #tpu.memory_space<vmem_shared>>
        %dma_wait3A_47 = arith.constant 0 : i32
        %dma_wait3A_48 = tpu.memref_slice %arg9[%add3A_33, %dma_wait3A_47] : memref<10000x128xf32, #tpu.memory_space<vmem_shared>> -> memref<48x128xf32, #tpu.memory_space<vmem_shared>>
        %dma_wait3A_49 = arith.constant 0 : i32
        %dma_wait3A_50 = arith.constant 0 : i32
        %dma_wait3A_51 = tpu.memref_slice %arg8[%dma_wait3A_49, %dma_wait3A_50] : memref<48x128xf32, #tpu.memory_space<vmem>> -> memref<48x128xf32, #tpu.memory_space<vmem>>
        tpu.wait_dma2 semaphore(%run_scoped3A : memref<!tpu.dma_semaphore, #tpu.memory_space<semaphore_mem>>) src(%dma_wait3A_51 : memref<48x128xf32, #tpu.memory_space<vmem>>) dst(%dma_wait3A_48 : memref<48x128xf32, #tpu.memory_space<vmem_shared>>)
        tpu.yield
      }) : () -> ()
    }
    %scan3A_7 = arith.constant 13 : i32
    %eq3A = arith.constant 15 : i32
    %eq3A_8 = arith.cmpi eq, %arg1, %eq3A : i32
    %convert_element_type3A = arith.extui %eq3A_8 : i1 to i32
    %cond3A = arith.constant 0 : i32
    %cond3A_9 = arith.cmpi ne, %convert_element_type3A, %cond3A : i32
    scf.if %cond3A_9 {
      "tpu.region"() ({
        %run_scoped3A = tpu.sem_alloc : memref<!tpu.dma_semaphore, #tpu.memory_space<semaphore_mem>>
        %dma_start3A = arith.constant 0 : i32
        %dma_start3A_30 = arith.constant 0 : i32
        %dma_start3A_31 = tpu.memref_slice %arg8[%dma_start3A, %dma_start3A_30] : memref<48x128xf32, #tpu.memory_space<vmem>> -> memref<16x128xf32, #tpu.memory_space<vmem>>
        %dma_start3A_32 = arith.constant 9984 : i32
        %dma_start3A_33 = arith.constant 0 : i32
        %dma_start3A_34 = tpu.memref_slice %arg9[%dma_start3A_32, %dma_start3A_33] : memref<10000x128xf32, #tpu.memory_space<vmem_shared>> -> memref<16x128xf32, #tpu.memory_space<vmem_shared>>
        %dma_start3A_35 = arith.constant 9984 : i32
        %dma_start3A_36 = arith.constant 0 : i32
        %dma_start3A_37 = tpu.memref_slice %arg9[%dma_start3A_35, %dma_start3A_36] : memref<10000x128xf32, #tpu.memory_space<vmem_shared>> -> memref<16x128xf32, #tpu.memory_space<vmem_shared>>
        %dma_start3A_38 = arith.constant 0 : i32
        %dma_start3A_39 = arith.constant 0 : i32
        %dma_start3A_40 = tpu.memref_slice %arg8[%dma_start3A_38, %dma_start3A_39] : memref<48x128xf32, #tpu.memory_space<vmem>> -> memref<16x128xf32, #tpu.memory_space<vmem>>
        tpu.enqueue_dma source(%dma_start3A_40 : memref<16x128xf32, #tpu.memory_space<vmem>>) target(%dma_start3A_37 : memref<16x128xf32, #tpu.memory_space<vmem_shared>>) target_semaphore(%run_scoped3A : memref<!tpu.dma_semaphore, #tpu.memory_space<semaphore_mem>>)
        %dma_wait3A = arith.constant 0 : i32
        %dma_wait3A_41 = arith.constant 0 : i32
        %dma_wait3A_42 = tpu.memref_slice %arg8[%dma_wait3A, %dma_wait3A_41] : memref<48x128xf32, #tpu.memory_space<vmem>> -> memref<16x128xf32, #tpu.memory_space<vmem>>
        %dma_wait3A_43 = arith.constant 9984 : i32
        %dma_wait3A_44 = arith.constant 0 : i32
        %dma_wait3A_45 = tpu.memref_slice %arg9[%dma_wait3A_43, %dma_wait3A_44] : memref<10000x128xf32, #tpu.memory_space<vmem_shared>> -> memref<16x128xf32, #tpu.memory_space<vmem_shared>>
        %dma_wait3A_46 = arith.constant 9984 : i32
        %dma_wait3A_47 = arith.constant 0 : i32
        %dma_wait3A_48 = tpu.memref_slice %arg9[%dma_wait3A_46, %dma_wait3A_47] : memref<10000x128xf32, #tpu.memory_space<vmem_shared>> -> memref<16x128xf32, #tpu.memory_space<vmem_shared>>
        %dma_wait3A_49 = arith.constant 0 : i32
        %dma_wait3A_50 = arith.constant 0 : i32
        %dma_wait3A_51 = tpu.memref_slice %arg8[%dma_wait3A_49, %dma_wait3A_50] : memref<48x128xf32, #tpu.memory_space<vmem>> -> memref<16x128xf32, #tpu.memory_space<vmem>>
        tpu.wait_dma2 semaphore(%run_scoped3A : memref<!tpu.dma_semaphore, #tpu.memory_space<semaphore_mem>>) src(%dma_wait3A_51 : memref<16x128xf32, #tpu.memory_space<vmem>>) dst(%dma_wait3A_48 : memref<16x128xf32, #tpu.memory_space<vmem_shared>>)
        tpu.yield
      }) : () -> ()
    } else {
    }
    "tpu.region"() ({
      %run_scoped3A = tpu.sem_alloc : memref<!tpu.dma_semaphore, #tpu.memory_space<semaphore_mem>>
      tpu.enqueue_dma source(%arg4 : memref<80x128xf32, #tpu.memory_space<hbm>>) target(%arg7 : memref<80x128xf32, #tpu.memory_space<vmem>>) target_semaphore(%run_scoped3A : memref<!tpu.dma_semaphore, #tpu.memory_space<semaphore_mem>>)
      tpu.wait_dma2 semaphore(%run_scoped3A : memref<!tpu.dma_semaphore, #tpu.memory_space<semaphore_mem>>) src(%arg4 : memref<80x128xf32, #tpu.memory_space<hbm>>) dst(%arg7 : memref<80x128xf32, #tpu.memory_space<vmem>>)
      tpu.yield
    }) : () -> ()
    %barrier3A = arith.constant 0 : index
    tpu.barrier barrier_id(%barrier3A)
    %mul3A_10 = arith.constant 10000 : i32
    %mul3A_11 = arith.muli %add3A, %mul3A_10 : i32
    %scan3A_12 = arith.constant 0 : i32
    %scan3A_13 = arith.constant 0 : i32
    %scan3A_14 = arith.constant 125 : i32
    %scan3A_15 = arith.addi %scan3A_13, %scan3A_14 : i32
    %scan3A_16 = arith.constant 1 : i32
    scf.for %scan3A_30 = %scan3A_13 to %scan3A_15 step %scan3A_16  : i32 {
      %mul3A_31 = arith.constant 80 : i32
      %mul3A_32 = arith.muli %scan3A_30, %mul3A_31 : i32
      %add3A_33 = arith.addi %mul3A_11, %mul3A_32 : i32
      "tpu.region"() ({
        %run_scoped3A = tpu.sem_alloc : memref<!tpu.dma_semaphore, #tpu.memory_space<semaphore_mem>>
        %dma_start3A = tpu.memref_slice %arg2[%add3A_33] : memref<320000xi32, #tpu.memory_space<hbm>> -> memref<80xi32, #tpu.memory_space<hbm>>
        %dma_start3A_34 = tpu.memref_slice %arg2[%add3A_33] : memref<320000xi32, #tpu.memory_space<hbm>> -> memref<80xi32, #tpu.memory_space<hbm>>
        tpu.enqueue_dma source(%dma_start3A_34 : memref<80xi32, #tpu.memory_space<hbm>>) target(%arg6 : memref<80xi32, #tpu.memory_space<vmem>>) target_semaphore(%run_scoped3A : memref<!tpu.dma_semaphore, #tpu.memory_space<semaphore_mem>>)
        %dma_wait3A = tpu.memref_slice %arg2[%add3A_33] : memref<320000xi32, #tpu.memory_space<hbm>> -> memref<80xi32, #tpu.memory_space<hbm>>
        %dma_wait3A_35 = tpu.memref_slice %arg2[%add3A_33] : memref<320000xi32, #tpu.memory_space<hbm>> -> memref<80xi32, #tpu.memory_space<hbm>>
        tpu.wait_dma2 semaphore(%run_scoped3A : memref<!tpu.dma_semaphore, #tpu.memory_space<semaphore_mem>>) src(%dma_wait3A_35 : memref<80xi32, #tpu.memory_space<hbm>>) dst(%arg6 : memref<80xi32, #tpu.memory_space<vmem>>)
        tpu.yield
      }) : () -> ()
      "tpu.region"() ({
        %run_scoped3A = tpu.sem_alloc : memref<!tpu.dma_semaphore, #tpu.memory_space<semaphore_mem>>
        %dma_start3A = arith.constant 0 : i32
        %dma_start3A_34 = arith.constant 0 : i32
        %dma_start3A_35 = tpu.memref_slice %arg9[%dma_start3A, %dma_start3A_34] : memref<10000x128xf32, #tpu.memory_space<vmem_shared>> -> memref<10000x128xf32, #tpu.memory_space<vmem_shared>>
        tpu.enqueue_indirect_dma source(%arg7 : memref<80x128xf32, #tpu.memory_space<vmem>>) target(%dma_start3A_35 : memref<10000x128xf32, #tpu.memory_space<vmem_shared>>) offsets(%arg6 : memref<80xi32, #tpu.memory_space<vmem>>) semaphore(%run_scoped3A : memref<!tpu.dma_semaphore, #tpu.memory_space<semaphore_mem>>) {add = true}
        %dma_wait3A = arith.constant 0 : i32
        %dma_wait3A_36 = arith.constant 0 : i32
        %dma_wait3A_37 = tpu.memref_slice %arg9[%dma_wait3A, %dma_wait3A_36] : memref<10000x128xf32, #tpu.memory_space<vmem_shared>> -> memref<10000x128xf32, #tpu.memory_space<vmem_shared>>
        tpu.wait_indirect_dma semaphore(%run_scoped3A : memref<!tpu.dma_semaphore, #tpu.memory_space<semaphore_mem>>) src(%arg7 : memref<80x128xf32, #tpu.memory_space<vmem>>) dst(%dma_wait3A_37 : memref<10000x128xf32, #tpu.memory_space<vmem_shared>>)
        tpu.yield
      }) : () -> ()
    }
    %scan3A_17 = arith.constant 125 : i32
    %barrier3A_18 = arith.constant 0 : index
    tpu.barrier barrier_id(%barrier3A_18)
    %scan3A_19 = arith.constant 0 : i32
    %scan3A_20 = arith.constant 0 : i32
    %scan3A_21 = arith.constant 13 : i32
    %scan3A_22 = arith.addi %scan3A_20, %scan3A_21 : i32
    %scan3A_23 = arith.constant 1 : i32
    scf.for %scan3A_30 = %scan3A_20 to %scan3A_22 step %scan3A_23  : i32 {
      %mul3A_31 = arith.constant 48 : i32
      %mul3A_32 = arith.muli %scan3A_30, %mul3A_31 : i32
      %add3A_33 = arith.addi %mul3A_2, %mul3A_32 : i32
      "tpu.region"() ({
        %run_scoped3A = tpu.sem_alloc : memref<!tpu.dma_semaphore, #tpu.memory_space<semaphore_mem>>
        %dma_start3A = arith.constant 0 : i32
        %dma_start3A_37 = arith.constant 0 : i32
        %dma_start3A_38 = tpu.memref_slice %arg8[%dma_start3A, %dma_start3A_37] : memref<48x128xf32, #tpu.memory_space<vmem>> -> memref<48x128xf32, #tpu.memory_space<vmem>>
        %dma_start3A_39 = arith.constant 0 : i32
        %dma_start3A_40 = tpu.memref_slice %arg9[%add3A_33, %dma_start3A_39] : memref<10000x128xf32, #tpu.memory_space<vmem_shared>> -> memref<48x128xf32, #tpu.memory_space<vmem_shared>>
        %dma_start3A_41 = arith.constant 0 : i32
        %dma_start3A_42 = arith.constant 0 : i32
        %dma_start3A_43 = tpu.memref_slice %arg8[%dma_start3A_41, %dma_start3A_42] : memref<48x128xf32, #tpu.memory_space<vmem>> -> memref<48x128xf32, #tpu.memory_space<vmem>>
        %dma_start3A_44 = arith.constant 0 : i32
        %dma_start3A_45 = tpu.memref_slice %arg9[%add3A_33, %dma_start3A_44] : memref<10000x128xf32, #tpu.memory_space<vmem_shared>> -> memref<48x128xf32, #tpu.memory_space<vmem_shared>>
        tpu.enqueue_dma source(%dma_start3A_45 : memref<48x128xf32, #tpu.memory_space<vmem_shared>>) target(%dma_start3A_43 : memref<48x128xf32, #tpu.memory_space<vmem>>) target_semaphore(%run_scoped3A : memref<!tpu.dma_semaphore, #tpu.memory_space<semaphore_mem>>)
        %dma_wait3A = arith.constant 0 : i32
        %dma_wait3A_46 = arith.constant 0 : i32
        %dma_wait3A_47 = tpu.memref_slice %arg8[%dma_wait3A, %dma_wait3A_46] : memref<48x128xf32, #tpu.memory_space<vmem>> -> memref<48x128xf32, #tpu.memory_space<vmem>>
        %dma_wait3A_48 = arith.constant 0 : i32
        %dma_wait3A_49 = tpu.memref_slice %arg9[%add3A_33, %dma_wait3A_48] : memref<10000x128xf32, #tpu.memory_space<vmem_shared>> -> memref<48x128xf32, #tpu.memory_space<vmem_shared>>
        %dma_wait3A_50 = arith.constant 0 : i32
        %dma_wait3A_51 = arith.constant 0 : i32
        %dma_wait3A_52 = tpu.memref_slice %arg8[%dma_wait3A_50, %dma_wait3A_51] : memref<48x128xf32, #tpu.memory_space<vmem>> -> memref<48x128xf32, #tpu.memory_space<vmem>>
        %dma_wait3A_53 = arith.constant 0 : i32
        %dma_wait3A_54 = tpu.memref_slice %arg9[%add3A_33, %dma_wait3A_53] : memref<10000x128xf32, #tpu.memory_space<vmem_shared>> -> memref<48x128xf32, #tpu.memory_space<vmem_shared>>
        tpu.wait_dma2 semaphore(%run_scoped3A : memref<!tpu.dma_semaphore, #tpu.memory_space<semaphore_mem>>) src(%dma_wait3A_54 : memref<48x128xf32, #tpu.memory_space<vmem_shared>>) dst(%dma_wait3A_52 : memref<48x128xf32, #tpu.memory_space<vmem>>)
        tpu.yield
      }) : () -> ()
      %mul3A_34 = arith.constant 48 : i32
      %mul3A_35 = arith.muli %scan3A_30, %mul3A_34 : i32
      %add3A_36 = arith.addi %mul3A_2, %mul3A_35 : i32
      "tpu.region"() ({
        %run_scoped3A = tpu.sem_alloc : memref<!tpu.dma_semaphore, #tpu.memory_space<semaphore_mem>>
        %dma_start3A = arith.constant 0 : i32
        %dma_start3A_37 = arith.constant 0 : i32
        %dma_start3A_38 = tpu.memref_slice %arg8[%dma_start3A, %dma_start3A_37] : memref<48x128xf32, #tpu.memory_space<vmem>> -> memref<48x128xf32, #tpu.memory_space<vmem>>
        %dma_start3A_39 = arith.constant 0 : i32
        %dma_start3A_40 = tpu.memref_slice %arg5[%arg0, %add3A_36, %dma_start3A_39] : memref<2x10000x128xf32, #tpu.memory_space<hbm>> -> memref<1x48x128xf32, #tpu.memory_space<hbm>>
        %dma_start3A_41 = tpu.memref_squeeze %dma_start3A_40 : memref<1x48x128xf32, #tpu.memory_space<hbm>> -> memref<48x128xf32, #tpu.memory_space<hbm>>
        %dma_start3A_42 = arith.constant 0 : i32
        %dma_start3A_43 = tpu.memref_slice %arg5[%arg0, %add3A_36, %dma_start3A_42] : memref<2x10000x128xf32, #tpu.memory_space<hbm>> -> memref<1x48x128xf32, #tpu.memory_space<hbm>>
        %dma_start3A_44 = tpu.memref_squeeze %dma_start3A_43 : memref<1x48x128xf32, #tpu.memory_space<hbm>> -> memref<48x128xf32, #tpu.memory_space<hbm>>
        %dma_start3A_45 = arith.constant 0 : i32
        %dma_start3A_46 = arith.constant 0 : i32
        %dma_start3A_47 = tpu.memref_slice %arg8[%dma_start3A_45, %dma_start3A_46] : memref<48x128xf32, #tpu.memory_space<vmem>> -> memref<48x128xf32, #tpu.memory_space<vmem>>
        tpu.enqueue_dma source(%dma_start3A_47 : memref<48x128xf32, #tpu.memory_space<vmem>>) target(%dma_start3A_44 : memref<48x128xf32, #tpu.memory_space<hbm>>) target_semaphore(%run_scoped3A : memref<!tpu.dma_semaphore, #tpu.memory_space<semaphore_mem>>)
        %dma_wait3A = arith.constant 0 : i32
        %dma_wait3A_48 = arith.constant 0 : i32
        %dma_wait3A_49 = tpu.memref_slice %arg8[%dma_wait3A, %dma_wait3A_48] : memref<48x128xf32, #tpu.memory_space<vmem>> -> memref<48x128xf32, #tpu.memory_space<vmem>>
        %dma_wait3A_50 = arith.constant 0 : i32
        %dma_wait3A_51 = tpu.memref_slice %arg5[%arg0, %add3A_36, %dma_wait3A_50] : memref<2x10000x128xf32, #tpu.memory_space<hbm>> -> memref<1x48x128xf32, #tpu.memory_space<hbm>>
        %dma_wait3A_52 = tpu.memref_squeeze %dma_wait3A_51 : memref<1x48x128xf32, #tpu.memory_space<hbm>> -> memref<48x128xf32, #tpu.memory_space<hbm>>
        %dma_wait3A_53 = arith.constant 0 : i32
        %dma_wait3A_54 = tpu.memref_slice %arg5[%arg0, %add3A_36, %dma_wait3A_53] : memref<2x10000x128xf32, #tpu.memory_space<hbm>> -> memref<1x48x128xf32, #tpu.memory_space<hbm>>
        %dma_wait3A_55 = tpu.memref_squeeze %dma_wait3A_54 : memref<1x48x128xf32, #tpu.memory_space<hbm>> -> memref<48x128xf32, #tpu.memory_space<hbm>>
        %dma_wait3A_56 = arith.constant 0 : i32
        %dma_wait3A_57 = arith.constant 0 : i32
        %dma_wait3A_58 = tpu.memref_slice %arg8[%dma_wait3A_56, %dma_wait3A_57] : memref<48x128xf32, #tpu.memory_space<vmem>> -> memref<48x128xf32, #tpu.memory_space<vmem>>
        tpu.wait_dma2 semaphore(%run_scoped3A : memref<!tpu.dma_semaphore, #tpu.memory_space<semaphore_mem>>) src(%dma_wait3A_58 : memref<48x128xf32, #tpu.memory_space<vmem>>) dst(%dma_wait3A_55 : memref<48x128xf32, #tpu.memory_space<hbm>>)
        tpu.yield
      }) : () -> ()
    }
    %scan3A_24 = arith.constant 13 : i32
    %eq3A_25 = arith.constant 15 : i32
    %eq3A_26 = arith.cmpi eq, %arg1, %eq3A_25 : i32
    %convert_element_type3A_27 = arith.extui %eq3A_26 : i1 to i32
    %cond3A_28 = arith.constant 0 : i32
    %cond3A_29 = arith.cmpi ne, %convert_element_type3A_27, %cond3A_28 : i32
    scf.if %cond3A_29 {
      "tpu.region"() ({
        %run_scoped3A = tpu.sem_alloc : memref<!tpu.dma_semaphore, #tpu.memory_space<semaphore_mem>>
        %dma_start3A = arith.constant 0 : i32
        %dma_start3A_30 = arith.constant 0 : i32
        %dma_start3A_31 = tpu.memref_slice %arg8[%dma_start3A, %dma_start3A_30] : memref<48x128xf32, #tpu.memory_space<vmem>> -> memref<16x128xf32, #tpu.memory_space<vmem>>
        %dma_start3A_32 = arith.constant 9984 : i32
        %dma_start3A_33 = arith.constant 0 : i32
        %dma_start3A_34 = tpu.memref_slice %arg9[%dma_start3A_32, %dma_start3A_33] : memref<10000x128xf32, #tpu.memory_space<vmem_shared>> -> memref<16x128xf32, #tpu.memory_space<vmem_shared>>
        %dma_start3A_35 = arith.constant 0 : i32
        %dma_start3A_36 = arith.constant 0 : i32
        %dma_start3A_37 = tpu.memref_slice %arg8[%dma_start3A_35, %dma_start3A_36] : memref<48x128xf32, #tpu.memory_space<vmem>> -> memref<16x128xf32, #tpu.memory_space<vmem>>
        %dma_start3A_38 = arith.constant 9984 : i32
        %dma_start3A_39 = arith.constant 0 : i32
        %dma_start3A_40 = tpu.memref_slice %arg9[%dma_start3A_38, %dma_start3A_39] : memref<10000x128xf32, #tpu.memory_space<vmem_shared>> -> memref<16x128xf32, #tpu.memory_space<vmem_shared>>
        tpu.enqueue_dma source(%dma_start3A_40 : memref<16x128xf32, #tpu.memory_space<vmem_shared>>) target(%dma_start3A_37 : memref<16x128xf32, #tpu.memory_space<vmem>>) target_semaphore(%run_scoped3A : memref<!tpu.dma_semaphore, #tpu.memory_space<semaphore_mem>>)
        %dma_wait3A = arith.constant 0 : i32
        %dma_wait3A_41 = arith.constant 0 : i32
        %dma_wait3A_42 = tpu.memref_slice %arg8[%dma_wait3A, %dma_wait3A_41] : memref<48x128xf32, #tpu.memory_space<vmem>> -> memref<16x128xf32, #tpu.memory_space<vmem>>
        %dma_wait3A_43 = arith.constant 9984 : i32
        %dma_wait3A_44 = arith.constant 0 : i32
        %dma_wait3A_45 = tpu.memref_slice %arg9[%dma_wait3A_43, %dma_wait3A_44] : memref<10000x128xf32, #tpu.memory_space<vmem_shared>> -> memref<16x128xf32, #tpu.memory_space<vmem_shared>>
        %dma_wait3A_46 = arith.constant 0 : i32
        %dma_wait3A_47 = arith.constant 0 : i32
        %dma_wait3A_48 = tpu.memref_slice %arg8[%dma_wait3A_46, %dma_wait3A_47] : memref<48x128xf32, #tpu.memory_space<vmem>> -> memref<16x128xf32, #tpu.memory_space<vmem>>
        %dma_wait3A_49 = arith.constant 9984 : i32
        %dma_wait3A_50 = arith.constant 0 : i32
        %dma_wait3A_51 = tpu.memref_slice %arg9[%dma_wait3A_49, %dma_wait3A_50] : memref<10000x128xf32, #tpu.memory_space<vmem_shared>> -> memref<16x128xf32, #tpu.memory_space<vmem_shared>>
        tpu.wait_dma2 semaphore(%run_scoped3A : memref<!tpu.dma_semaphore, #tpu.memory_space<semaphore_mem>>) src(%dma_wait3A_51 : memref<16x128xf32, #tpu.memory_space<vmem_shared>>) dst(%dma_wait3A_48 : memref<16x128xf32, #tpu.memory_space<vmem>>)
        tpu.yield
      }) : () -> ()
      "tpu.region"() ({
        %run_scoped3A = tpu.sem_alloc : memref<!tpu.dma_semaphore, #tpu.memory_space<semaphore_mem>>
        %dma_start3A = arith.constant 0 : i32
        %dma_start3A_30 = arith.constant 0 : i32
        %dma_start3A_31 = tpu.memref_slice %arg8[%dma_start3A, %dma_start3A_30] : memref<48x128xf32, #tpu.memory_space<vmem>> -> memref<16x128xf32, #tpu.memory_space<vmem>>
        %dma_start3A_32 = arith.constant 9984 : i32
        %dma_start3A_33 = arith.constant 0 : i32
        %dma_start3A_34 = tpu.memref_slice %arg5[%arg0, %dma_start3A_32, %dma_start3A_33] : memref<2x10000x128xf32, #tpu.memory_space<hbm>> -> memref<1x16x128xf32, #tpu.memory_space<hbm>>
        %dma_start3A_35 = tpu.memref_squeeze %dma_start3A_34 : memref<1x16x128xf32, #tpu.memory_space<hbm>> -> memref<16x128xf32, #tpu.memory_space<hbm>>
        %dma_start3A_36 = arith.constant 9984 : i32
        %dma_start3A_37 = arith.constant 0 : i32
        %dma_start3A_38 = tpu.memref_slice %arg5[%arg0, %dma_start3A_36, %dma_start3A_37] : memref<2x10000x128xf32, #tpu.memory_space<hbm>> -> memref<1x16x128xf32, #tpu.memory_space<hbm>>
        %dma_start3A_39 = tpu.memref_squeeze %dma_start3A_38 : memref<1x16x128xf32, #tpu.memory_space<hbm>> -> memref<16x128xf32, #tpu.memory_space<hbm>>
        %dma_start3A_40 = arith.constant 0 : i32
        %dma_start3A_41 = arith.constant 0 : i32
        %dma_start3A_42 = tpu.memref_slice %arg8[%dma_start3A_40, %dma_start3A_41] : memref<48x128xf32, #tpu.memory_space<vmem>> -> memref<16x128xf32, #tpu.memory_space<vmem>>
        tpu.enqueue_dma source(%dma_start3A_42 : memref<16x128xf32, #tpu.memory_space<vmem>>) target(%dma_start3A_39 : memref<16x128xf32, #tpu.memory_space<hbm>>) target_semaphore(%run_scoped3A : memref<!tpu.dma_semaphore, #tpu.memory_space<semaphore_mem>>)
        %dma_wait3A = arith.constant 0 : i32
        %dma_wait3A_43 = arith.constant 0 : i32
        %dma_wait3A_44 = tpu.memref_slice %arg8[%dma_wait3A, %dma_wait3A_43] : memref<48x128xf32, #tpu.memory_space<vmem>> -> memref<16x128xf32, #tpu.memory_space<vmem>>
        %dma_wait3A_45 = arith.constant 9984 : i32
        %dma_wait3A_46 = arith.constant 0 : i32
        %dma_wait3A_47 = tpu.memref_slice %arg5[%arg0, %dma_wait3A_45, %dma_wait3A_46] : memref<2x10000x128xf32, #tpu.memory_space<hbm>> -> memref<1x16x128xf32, #tpu.memory_space<hbm>>
        %dma_wait3A_48 = tpu.memref_squeeze %dma_wait3A_47 : memref<1x16x128xf32, #tpu.memory_space<hbm>> -> memref<16x128xf32, #tpu.memory_space<hbm>>
        %dma_wait3A_49 = arith.constant 9984 : i32
        %dma_wait3A_50 = arith.constant 0 : i32
        %dma_wait3A_51 = tpu.memref_slice %arg5[%arg0, %dma_wait3A_49, %dma_wait3A_50] : memref<2x10000x128xf32, #tpu.memory_space<hbm>> -> memref<1x16x128xf32, #tpu.memory_space<hbm>>
        %dma_wait3A_52 = tpu.memref_squeeze %dma_wait3A_51 : memref<1x16x128xf32, #tpu.memory_space<hbm>> -> memref<16x128xf32, #tpu.memory_space<hbm>>
        %dma_wait3A_53 = arith.constant 0 : i32
        %dma_wait3A_54 = arith.constant 0 : i32
        %dma_wait3A_55 = tpu.memref_slice %arg8[%dma_wait3A_53, %dma_wait3A_54] : memref<48x128xf32, #tpu.memory_space<vmem>> -> memref<16x128xf32, #tpu.memory_space<vmem>>
        tpu.wait_dma2 semaphore(%run_scoped3A : memref<!tpu.dma_semaphore, #tpu.memory_space<semaphore_mem>>) src(%dma_wait3A_55 : memref<16x128xf32, #tpu.memory_space<vmem>>) dst(%dma_wait3A_52 : memref<16x128xf32, #tpu.memory_space<hbm>>)
        tpu.yield
      }) : () -> ()
    } else {
    }
    return
  }
}

module attributes {stable_mosaic.version = 14 : i64} {
  func.func @body(%arg0: i32, %arg1: memref<1000x128xf32, #tpu.memory_space<vmem>>, %arg2: memref<1x1000x128xf32, #tpu.memory_space<vmem>>, %arg3: memref<1x1000x128xf32, #tpu.memory_space<vmem>>, %arg4: memref<1x1000x128xf32, #tpu.memory_space<vmem>>, %arg5: memref<1x1000x128xf32, #tpu.memory_space<vmem>>, %arg6: memref<128x128xf32, #tpu.memory_space<vmem>>, %arg7: memref<1x128xf32, #tpu.memory_space<vmem>>, %arg8: memref<128x128xf32, #tpu.memory_space<vmem>>, %arg9: memref<1000x128xf32, #tpu.memory_space<vmem>>) attributes {dimension_semantics = [#tpu.dimension_semantics<arbitrary>], iteration_bounds = array<i64: 10>, scalar_prefetch = 0 : i64, scratch_operands = 0 : i64, tpu.core_type = #tpu.core_type<tc>, window_params = [{transform_indices = @transform_0, window_bounds = array<i64: 1000, 128>}, {transform_indices = @transform_1, window_bounds = array<i64: 1, 1000, 128>}, {transform_indices = @transform_2, window_bounds = array<i64: 1, 1000, 128>}, {transform_indices = @transform_3, window_bounds = array<i64: 1, 1000, 128>}, {transform_indices = @transform_4, window_bounds = array<i64: 1, 1000, 128>}, {pipeline_mode = #tpu.pipeline_mode<synchronous>, transform_indices = @transform_5, window_bounds = array<i64: 128, 128>}, {pipeline_mode = #tpu.pipeline_mode<synchronous>, transform_indices = @transform_6, window_bounds = array<i64: 1, 128>}, {pipeline_mode = #tpu.pipeline_mode<synchronous>, transform_indices = @transform_7, window_bounds = array<i64: 128, 128>}, {transform_indices = @transform_8, window_bounds = array<i64: 1000, 128>}]} {
    %get3A = arith.constant 0 : index
    %get3A_0 = arith.constant 0 : index
    %get3A_1 = arith.constant 0 : index
    %get3A_2 = vector.load %arg4[%get3A, %get3A_0, %get3A_1] : memref<1x1000x128xf32, #tpu.memory_space<vmem>>, vector<1x1000x128xf32>
    %get3A_3 = vector.shape_cast %get3A_2 : vector<1x1000x128xf32> to vector<1000x128xf32>
    %slice3A = vector.extract_strided_slice %get3A_3 {offsets = [0, 0], sizes = [1000, 1], strides = [1, 1]} : vector<1000x128xf32> to vector<1000x1xf32>
    %get3A_4 = arith.constant 0 : index
    %get3A_5 = arith.constant 0 : index
    %get3A_6 = arith.constant 0 : index
    %get3A_7 = vector.load %arg5[%get3A_4, %get3A_5, %get3A_6] : memref<1x1000x128xf32, #tpu.memory_space<vmem>>, vector<1x1000x128xf32>
    %get3A_8 = vector.shape_cast %get3A_7 : vector<1x1000x128xf32> to vector<1000x128xf32>
    %slice3A_9 = vector.extract_strided_slice %get3A_8 {offsets = [0, 0], sizes = [1000, 1], strides = [1, 1]} : vector<1000x128xf32> to vector<1000x1xf32>
    %add3A = arith.addf %slice3A, %slice3A_9 : vector<1000x1xf32>
    %max3A = arith.constant 1.000000e+00 : f32
    %max3A_10 = vector.broadcast %max3A : f32 to vector<1000x1xf32>
    %max3A_11 = arith.maximumf %add3A, %max3A_10 : vector<1000x1xf32>
    %get3A_12 = arith.constant 0 : index
    %get3A_13 = arith.constant 0 : index
    %get3A_14 = arith.constant 0 : index
    %get3A_15 = vector.load %arg2[%get3A_12, %get3A_13, %get3A_14] : memref<1x1000x128xf32, #tpu.memory_space<vmem>>, vector<1x1000x128xf32>
    %get3A_16 = vector.shape_cast %get3A_15 : vector<1x1000x128xf32> to vector<1000x128xf32>
    %get3A_17 = arith.constant 0 : index
    %get3A_18 = arith.constant 0 : index
    %get3A_19 = arith.constant 0 : index
    %get3A_20 = vector.load %arg3[%get3A_17, %get3A_18, %get3A_19] : memref<1x1000x128xf32, #tpu.memory_space<vmem>>, vector<1x1000x128xf32>
    %get3A_21 = vector.shape_cast %get3A_20 : vector<1x1000x128xf32> to vector<1000x128xf32>
    %add3A_22 = arith.addf %get3A_16, %get3A_21 : vector<1000x128xf32>
    %div3A = vector.broadcast %max3A_11 : vector<1000x1xf32> to vector<1000x128xf32>
    %div3A_23 = arith.divf %add3A_22, %div3A : vector<1000x128xf32>
    %get3A_24 = arith.constant 0 : index
    %get3A_25 = arith.constant 0 : index
    %get3A_26 = vector.load %arg6[%get3A_24, %get3A_25] : memref<128x128xf32, #tpu.memory_space<vmem>>, vector<128x128xf32>
    %dot_general3A = arith.constant dense<0.000000e+00> : vector<1000x128xf32>
    %dot_general3A_27 = tpu.matmul %div3A_23, %get3A_26, %dot_general3A {dimension_numbers = #tpu.dot_dimension_numbers<[1], [1], [0], [0], [0, 0, 1, 0], [], []>, transpose_lhs_hint = false} : vector<1000x128xf32>, vector<128x128xf32>, vector<1000x128xf32> -> vector<1000x128xf32>
    %get3A_28 = arith.constant 0 : index
    %get3A_29 = arith.constant 0 : index
    %get3A_30 = vector.load %arg7[%get3A_28, %get3A_29] : memref<1x128xf32, #tpu.memory_space<vmem>>, vector<1x128xf32>
    %add3A_31 = vector.broadcast %get3A_30 : vector<1x128xf32> to vector<1000x128xf32>
    %add3A_32 = arith.addf %dot_general3A_27, %add3A_31 : vector<1000x128xf32>
    %get3A_33 = arith.constant 0 : index
    %get3A_34 = arith.constant 0 : index
    %get3A_35 = vector.load %arg1[%get3A_33, %get3A_34] : memref<1000x128xf32, #tpu.memory_space<vmem>>, vector<1000x128xf32>
    %get3A_36 = arith.constant 0 : index
    %get3A_37 = arith.constant 0 : index
    %get3A_38 = vector.load %arg8[%get3A_36, %get3A_37] : memref<128x128xf32, #tpu.memory_space<vmem>>, vector<128x128xf32>
    %dot_general3A_39 = arith.constant dense<0.000000e+00> : vector<1000x128xf32>
    %dot_general3A_40 = tpu.matmul %get3A_35, %get3A_38, %dot_general3A_39 {dimension_numbers = #tpu.dot_dimension_numbers<[1], [1], [0], [0], [0, 0, 1, 0], [], []>, transpose_lhs_hint = false} : vector<1000x128xf32>, vector<128x128xf32>, vector<1000x128xf32> -> vector<1000x128xf32>
    %add3A_41 = arith.addf %add3A_32, %dot_general3A_40 : vector<1000x128xf32>
    %max3A_42 = arith.constant 0.000000e+00 : f32
    %max3A_43 = vector.broadcast %max3A_42 : f32 to vector<1000x128xf32>
    %max3A_44 = arith.maximumf %add3A_41, %max3A_43 : vector<1000x128xf32>
    %swap3A = arith.constant 0 : index
    %swap3A_45 = arith.constant 0 : index
    %swap3A_46 = vector.load %arg9[%swap3A, %swap3A_45] : memref<1000x128xf32, #tpu.memory_space<vmem>>, vector<1000x128xf32>
    tpu.vector_store %arg9[%swap3A, %swap3A_45], %max3A_44 {strides = array<i32>} : memref<1000x128xf32, #tpu.memory_space<vmem>>, vector<1000x128xf32>,
    return
  }
  func.func @transform_0(%arg0: i32) -> (i32, i32) {
    %c0_i32 = arith.constant 0 : i32
    %c0_i32_0 = arith.constant 0 : i32
    return %arg0, %c0_i32 : i32, i32
  }
  func.func @transform_1(%arg0: i32) -> (i32, i32, i32) {
    %c0_i32 = arith.constant 0 : i32
    %c0_i32_0 = arith.constant 0 : i32
    %c0_i32_1 = arith.constant 0 : i32
    return %c0_i32, %arg0, %c0_i32_0 : i32, i32, i32
  }
  func.func @transform_2(%arg0: i32) -> (i32, i32, i32) {
    %c1_i32 = arith.constant 1 : i32
    %c0_i32 = arith.constant 0 : i32
    %c0_i32_0 = arith.constant 0 : i32
    return %c1_i32, %arg0, %c0_i32 : i32, i32, i32
  }
  func.func @transform_3(%arg0: i32) -> (i32, i32, i32) {
    %c0_i32 = arith.constant 0 : i32
    %c0_i32_0 = arith.constant 0 : i32
    %c0_i32_1 = arith.constant 0 : i32
    return %c0_i32, %arg0, %c0_i32_0 : i32, i32, i32
  }
  func.func @transform_4(%arg0: i32) -> (i32, i32, i32) {
    %c1_i32 = arith.constant 1 : i32
    %c0_i32 = arith.constant 0 : i32
    %c0_i32_0 = arith.constant 0 : i32
    return %c1_i32, %arg0, %c0_i32 : i32, i32, i32
  }
  func.func @transform_5(%arg0: i32) -> (i32, i32) {
    %c0_i32 = arith.constant 0 : i32
    %c0_i32_0 = arith.constant 0 : i32
    %c0_i32_1 = arith.constant 0 : i32
    return %c0_i32, %c0_i32_0 : i32, i32
  }
  func.func @transform_6(%arg0: i32) -> (i32, i32) {
    %c0_i32 = arith.constant 0 : i32
    %c0_i32_0 = arith.constant 0 : i32
    %c0_i32_1 = arith.constant 0 : i32
    return %c0_i32, %c0_i32_0 : i32, i32
  }
  func.func @transform_7(%arg0: i32) -> (i32, i32) {
    %c0_i32 = arith.constant 0 : i32
    %c0_i32_0 = arith.constant 0 : i32
    %c0_i32_1 = arith.constant 0 : i32
    return %c0_i32, %c0_i32_0 : i32, i32
  }
  func.func @transform_8(%arg0: i32) -> (i32, i32) {
    %c0_i32 = arith.constant 0 : i32
    %c0_i32_0 = arith.constant 0 : i32
    return %arg0, %c0_i32 : i32, i32
  }
}

module attributes {stable_mosaic.version = 14 : i64} {
  func.func @body(%arg0: i32, %arg1: memref<1000x128xf32, #tpu.memory_space<vmem>>, %arg2: memref<1x1000x128xf32, #tpu.memory_space<vmem>>, %arg3: memref<1x1000x128xf32, #tpu.memory_space<vmem>>, %arg4: memref<1x1000x128xf32, #tpu.memory_space<vmem>>, %arg5: memref<1x1000x128xf32, #tpu.memory_space<vmem>>, %arg6: memref<128x128xf32, #tpu.memory_space<vmem>>, %arg7: memref<1x128xf32, #tpu.memory_space<vmem>>, %arg8: memref<128x128xf32, #tpu.memory_space<vmem>>, %arg9: memref<128x128xf32, #tpu.memory_space<vmem>>, %arg10: memref<1x128xf32, #tpu.memory_space<vmem>>, %arg11: memref<128x128xf32, #tpu.memory_space<vmem>>, %arg12: memref<1x128xf32, #tpu.memory_space<vmem>>, %arg13: memref<1000x128xf32, #tpu.memory_space<vmem>>) attributes {dimension_semantics = [#tpu.dimension_semantics<arbitrary>], iteration_bounds = array<i64: 10>, scalar_prefetch = 0 : i64, scratch_operands = 0 : i64, tpu.core_type = #tpu.core_type<tc>, window_params = [{transform_indices = @transform_0, window_bounds = array<i64: 1000, 128>}, {transform_indices = @transform_1, window_bounds = array<i64: 1, 1000, 128>}, {transform_indices = @transform_2, window_bounds = array<i64: 1, 1000, 128>}, {transform_indices = @transform_3, window_bounds = array<i64: 1, 1000, 128>}, {transform_indices = @transform_4, window_bounds = array<i64: 1, 1000, 128>}, {pipeline_mode = #tpu.pipeline_mode<synchronous>, transform_indices = @transform_5, window_bounds = array<i64: 128, 128>}, {pipeline_mode = #tpu.pipeline_mode<synchronous>, transform_indices = @transform_6, window_bounds = array<i64: 1, 128>}, {pipeline_mode = #tpu.pipeline_mode<synchronous>, transform_indices = @transform_7, window_bounds = array<i64: 128, 128>}, {pipeline_mode = #tpu.pipeline_mode<synchronous>, transform_indices = @transform_8, window_bounds = array<i64: 128, 128>}, {pipeline_mode = #tpu.pipeline_mode<synchronous>, transform_indices = @transform_9, window_bounds = array<i64: 1, 128>}, {pipeline_mode = #tpu.pipeline_mode<synchronous>, transform_indices = @transform_10, window_bounds = array<i64: 128, 128>}, {pipeline_mode = #tpu.pipeline_mode<synchronous>, transform_indices = @transform_11, window_bounds = array<i64: 1, 128>}, {transform_indices = @transform_12, window_bounds = array<i64: 1000, 128>}]} {
    %get3A = arith.constant 0 : index
    %get3A_0 = arith.constant 0 : index
    %get3A_1 = arith.constant 0 : index
    %get3A_2 = vector.load %arg4[%get3A, %get3A_0, %get3A_1] : memref<1x1000x128xf32, #tpu.memory_space<vmem>>, vector<1x1000x128xf32>
    %get3A_3 = vector.shape_cast %get3A_2 : vector<1x1000x128xf32> to vector<1000x128xf32>
    %slice3A = vector.extract_strided_slice %get3A_3 {offsets = [0, 0], sizes = [1000, 1], strides = [1, 1]} : vector<1000x128xf32> to vector<1000x1xf32>
    %get3A_4 = arith.constant 0 : index
    %get3A_5 = arith.constant 0 : index
    %get3A_6 = arith.constant 0 : index
    %get3A_7 = vector.load %arg5[%get3A_4, %get3A_5, %get3A_6] : memref<1x1000x128xf32, #tpu.memory_space<vmem>>, vector<1x1000x128xf32>
    %get3A_8 = vector.shape_cast %get3A_7 : vector<1x1000x128xf32> to vector<1000x128xf32>
    %slice3A_9 = vector.extract_strided_slice %get3A_8 {offsets = [0, 0], sizes = [1000, 1], strides = [1, 1]} : vector<1000x128xf32> to vector<1000x1xf32>
    %add3A = arith.addf %slice3A, %slice3A_9 : vector<1000x1xf32>
    %max3A = arith.constant 1.000000e+00 : f32
    %max3A_10 = vector.broadcast %max3A : f32 to vector<1000x1xf32>
    %max3A_11 = arith.maximumf %add3A, %max3A_10 : vector<1000x1xf32>
    %get3A_12 = arith.constant 0 : index
    %get3A_13 = arith.constant 0 : index
    %get3A_14 = arith.constant 0 : index
    %get3A_15 = vector.load %arg2[%get3A_12, %get3A_13, %get3A_14] : memref<1x1000x128xf32, #tpu.memory_space<vmem>>, vector<1x1000x128xf32>
    %get3A_16 = vector.shape_cast %get3A_15 : vector<1x1000x128xf32> to vector<1000x128xf32>
    %get3A_17 = arith.constant 0 : index
    %get3A_18 = arith.constant 0 : index
    %get3A_19 = arith.constant 0 : index
    %get3A_20 = vector.load %arg3[%get3A_17, %get3A_18, %get3A_19] : memref<1x1000x128xf32, #tpu.memory_space<vmem>>, vector<1x1000x128xf32>
    %get3A_21 = vector.shape_cast %get3A_20 : vector<1x1000x128xf32> to vector<1000x128xf32>
    %add3A_22 = arith.addf %get3A_16, %get3A_21 : vector<1000x128xf32>
    %div3A = vector.broadcast %max3A_11 : vector<1000x1xf32> to vector<1000x128xf32>
    %div3A_23 = arith.divf %add3A_22, %div3A : vector<1000x128xf32>
    %get3A_24 = arith.constant 0 : index
    %get3A_25 = arith.constant 0 : index
    %get3A_26 = vector.load %arg6[%get3A_24, %get3A_25] : memref<128x128xf32, #tpu.memory_space<vmem>>, vector<128x128xf32>
    %dot_general3A = arith.constant dense<0.000000e+00> : vector<1000x128xf32>
    %dot_general3A_27 = tpu.matmul %div3A_23, %get3A_26, %dot_general3A {dimension_numbers = #tpu.dot_dimension_numbers<[1], [1], [0], [0], [0, 0, 1, 0], [], []>, transpose_lhs_hint = false} : vector<1000x128xf32>, vector<128x128xf32>, vector<1000x128xf32> -> vector<1000x128xf32>
    %get3A_28 = arith.constant 0 : index
    %get3A_29 = arith.constant 0 : index
    %get3A_30 = vector.load %arg7[%get3A_28, %get3A_29] : memref<1x128xf32, #tpu.memory_space<vmem>>, vector<1x128xf32>
    %add3A_31 = vector.broadcast %get3A_30 : vector<1x128xf32> to vector<1000x128xf32>
    %add3A_32 = arith.addf %dot_general3A_27, %add3A_31 : vector<1000x128xf32>
    %get3A_33 = arith.constant 0 : index
    %get3A_34 = arith.constant 0 : index
    %get3A_35 = vector.load %arg1[%get3A_33, %get3A_34] : memref<1000x128xf32, #tpu.memory_space<vmem>>, vector<1000x128xf32>
    %get3A_36 = arith.constant 0 : index
    %get3A_37 = arith.constant 0 : index
    %get3A_38 = vector.load %arg8[%get3A_36, %get3A_37] : memref<128x128xf32, #tpu.memory_space<vmem>>, vector<128x128xf32>
    %dot_general3A_39 = arith.constant dense<0.000000e+00> : vector<1000x128xf32>
    %dot_general3A_40 = tpu.matmul %get3A_35, %get3A_38, %dot_general3A_39 {dimension_numbers = #tpu.dot_dimension_numbers<[1], [1], [0], [0], [0, 0, 1, 0], [], []>, transpose_lhs_hint = false} : vector<1000x128xf32>, vector<128x128xf32>, vector<1000x128xf32> -> vector<1000x128xf32>
    %add3A_41 = arith.addf %add3A_32, %dot_general3A_40 : vector<1000x128xf32>
    %max3A_42 = arith.constant 0.000000e+00 : f32
    %max3A_43 = vector.broadcast %max3A_42 : f32 to vector<1000x128xf32>
    %max3A_44 = arith.maximumf %add3A_41, %max3A_43 : vector<1000x128xf32>
    %get3A_45 = arith.constant 0 : index
    %get3A_46 = arith.constant 0 : index
    %get3A_47 = vector.load %arg9[%get3A_45, %get3A_46] : memref<128x128xf32, #tpu.memory_space<vmem>>, vector<128x128xf32>
    %dot_general3A_48 = arith.constant dense<0.000000e+00> : vector<1000x128xf32>
    %dot_general3A_49 = tpu.matmul %max3A_44, %get3A_47, %dot_general3A_48 {dimension_numbers = #tpu.dot_dimension_numbers<[1], [1], [0], [0], [0, 0, 1, 0], [], []>, transpose_lhs_hint = false} : vector<1000x128xf32>, vector<128x128xf32>, vector<1000x128xf32> -> vector<1000x128xf32>
    %get3A_50 = arith.constant 0 : index
    %get3A_51 = arith.constant 0 : index
    %get3A_52 = vector.load %arg10[%get3A_50, %get3A_51] : memref<1x128xf32, #tpu.memory_space<vmem>>, vector<1x128xf32>
    %add3A_53 = vector.broadcast %get3A_52 : vector<1x128xf32> to vector<1000x128xf32>
    %add3A_54 = arith.addf %dot_general3A_49, %add3A_53 : vector<1000x128xf32>
    %get3A_55 = arith.constant 0 : index
    %get3A_56 = arith.constant 0 : index
    %get3A_57 = vector.load %arg11[%get3A_55, %get3A_56] : memref<128x128xf32, #tpu.memory_space<vmem>>, vector<128x128xf32>
    %dot_general3A_58 = arith.constant dense<0.000000e+00> : vector<1000x128xf32>
    %dot_general3A_59 = tpu.matmul %add3A_54, %get3A_57, %dot_general3A_58 {dimension_numbers = #tpu.dot_dimension_numbers<[1], [1], [0], [0], [0, 0, 1, 0], [], []>, transpose_lhs_hint = false} : vector<1000x128xf32>, vector<128x128xf32>, vector<1000x128xf32> -> vector<1000x128xf32>
    %get3A_60 = arith.constant 0 : index
    %get3A_61 = arith.constant 0 : index
    %get3A_62 = vector.load %arg12[%get3A_60, %get3A_61] : memref<1x128xf32, #tpu.memory_space<vmem>>, vector<1x128xf32>
    %add3A_63 = vector.broadcast %get3A_62 : vector<1x128xf32> to vector<1000x128xf32>
    %add3A_64 = arith.addf %dot_general3A_59, %add3A_63 : vector<1000x128xf32>
    %swap3A = arith.constant 0 : index
    %swap3A_65 = arith.constant 0 : index
    %swap3A_66 = vector.load %arg13[%swap3A, %swap3A_65] : memref<1000x128xf32, #tpu.memory_space<vmem>>, vector<1000x128xf32>
    tpu.vector_store %arg13[%swap3A, %swap3A_65], %add3A_64 {strides = array<i32>} : memref<1000x128xf32, #tpu.memory_space<vmem>>, vector<1000x128xf32>,
    return
  }
  func.func @transform_0(%arg0: i32) -> (i32, i32) {
    %c0_i32 = arith.constant 0 : i32
    %c0_i32_0 = arith.constant 0 : i32
    return %arg0, %c0_i32 : i32, i32
  }
  func.func @transform_1(%arg0: i32) -> (i32, i32, i32) {
    %c0_i32 = arith.constant 0 : i32
    %c0_i32_0 = arith.constant 0 : i32
    %c0_i32_1 = arith.constant 0 : i32
    return %c0_i32, %arg0, %c0_i32_0 : i32, i32, i32
  }
  func.func @transform_2(%arg0: i32) -> (i32, i32, i32) {
    %c1_i32 = arith.constant 1 : i32
    %c0_i32 = arith.constant 0 : i32
    %c0_i32_0 = arith.constant 0 : i32
    return %c1_i32, %arg0, %c0_i32 : i32, i32, i32
  }
  func.func @transform_3(%arg0: i32) -> (i32, i32, i32) {
    %c0_i32 = arith.constant 0 : i32
    %c0_i32_0 = arith.constant 0 : i32
    %c0_i32_1 = arith.constant 0 : i32
    return %c0_i32, %arg0, %c0_i32_0 : i32, i32, i32
  }
  func.func @transform_4(%arg0: i32) -> (i32, i32, i32) {
    %c1_i32 = arith.constant 1 : i32
    %c0_i32 = arith.constant 0 : i32
    %c0_i32_0 = arith.constant 0 : i32
    return %c1_i32, %arg0, %c0_i32 : i32, i32, i32
  }
  func.func @transform_5(%arg0: i32) -> (i32, i32) {
    %c0_i32 = arith.constant 0 : i32
    %c0_i32_0 = arith.constant 0 : i32
    %c0_i32_1 = arith.constant 0 : i32
    return %c0_i32, %c0_i32_0 : i32, i32
  }
  func.func @transform_6(%arg0: i32) -> (i32, i32) {
    %c0_i32 = arith.constant 0 : i32
    %c0_i32_0 = arith.constant 0 : i32
    %c0_i32_1 = arith.constant 0 : i32
    return %c0_i32, %c0_i32_0 : i32, i32
  }
  func.func @transform_7(%arg0: i32) -> (i32, i32) {
    %c0_i32 = arith.constant 0 : i32
    %c0_i32_0 = arith.constant 0 : i32
    %c0_i32_1 = arith.constant 0 : i32
    return %c0_i32, %c0_i32_0 : i32, i32
  }
  func.func @transform_8(%arg0: i32) -> (i32, i32) {
    %c0_i32 = arith.constant 0 : i32
    %c0_i32_0 = arith.constant 0 : i32
    %c0_i32_1 = arith.constant 0 : i32
    return %c0_i32, %c0_i32_0 : i32, i32
  }
  func.func @transform_9(%arg0: i32) -> (i32, i32) {
    %c0_i32 = arith.constant 0 : i32
    %c0_i32_0 = arith.constant 0 : i32
    %c0_i32_1 = arith.constant 0 : i32
    return %c0_i32, %c0_i32_0 : i32, i32
  }
  func.func @transform_10(%arg0: i32) -> (i32, i32) {
    %c0_i32 = arith.constant 0 : i32
    %c0_i32_0 = arith.constant 0 : i32
    %c0_i32_1 = arith.constant 0 : i32
    return %c0_i32, %c0_i32_0 : i32, i32
  }
  func.func @transform_11(%arg0: i32) -> (i32, i32) {
    %c0_i32 = arith.constant 0 : i32
    %c0_i32_0 = arith.constant 0 : i32
    %c0_i32_1 = arith.constant 0 : i32
    return %c0_i32, %c0_i32_0 : i32, i32
  }
  func.func @transform_12(%arg0: i32) -> (i32, i32) {
    %c0_i32 = arith.constant 0 : i32
    %c0_i32_0 = arith.constant 0 : i32
    return %arg0, %c0_i32 : i32, i32
  }
}

</mosaic_0001>

<sc_bundles>
// kernel: kernel.10.cloned.1.call-start
scs
__scs_entry_jumppad:
0x0: {  	(pc) =	sbr.rel $0x88, $3  }
0x1: {  	(tag) =	ssettag $0x0;
	lr =	simm.s32 $0x1  }
0x2: {  	[smem:$0x3F95] =	sst lr;
	_ =	strace $0xD0000000  }
0x3: {  	_ = 	snop  }
0x4: {  	_ = 	snop  }
0x5: {  	_ = 	snop  }
0x6: {  	_ = 	snop  }
0x7: {  	_ = 	snop  }
__scs_overlays_trampoline_lowered:
0x8: {  	[smem:$0x3FA4] =	sst s0  }
0x9: {  	[smem:$0x3FA5] =	sst s1  }
0xa: {  	[smem:$0x3FA6] =	sst s2  }
0xb: {  	[smem:$0x3FA7] =	sst s3  }
0xc: {  	[smem:$0x3FA8] =	sst s4  }
0xd: {  	[smem:$0x3FA9] =	sst s5  }
0xe: {  	[smem:$0x3FAA] =	sst s6  }
0xf: {  	[smem:$0x3FAB] =	sst s7  }
0x10: {  	[smem:$0x3FAC] =	sst s8  }
0x11: {  	[smem:$0x3FAD] =	sst s9;
	s0 =	simm.s32 @!p0 $0x0  }
0x12: {  	s1 =	sld [smem:$0x3F93];
	s0 =	simm.s32 @p0 $0x1  }
0x13: {  	[smem:$0x3FAE] =	sst s0;
	s0 =	simm.s32 @!p1 $0x0  }
0x14: {  	s2 =	sld [smem:$0x3F92];
	s0 =	simm.s32 @p1 $0x1  }
0x15: {  	[smem:$0x3FAF] =	sst s0;
	s0 =	simm.s32 @!p2 $0x0  }
0x16: {  	s3 =	sld [smem:$0x3FDB];
	s0 =	simm.s32 @p2 $0x1  }
0x17: {  	s4 =	simm.s32 $0x1BF5;
	[smem:$0x3FB1] =	sst s0  }
0x18: {  	s0 =	sld [smem:$0x3F94];
	_ =	swait.ge [sflag:s4], $0x0  }
0x19: {  	s7 =	sld [smem:$0x3F95]  }
0x1a: {  	s8 =	sadd.s32 $0xFFFFE003, lr  }
0x1b: {  	s9 =	sadd.s32 $0xFFFFFEF7, lr;
	s5 =	simm.s32 $0xFFFFFFFF;
	p2 =	slt.u32 s8, $0xFFFFF086  }
0x1c: {  	p1 =	slt.u32 s9, $0xF7A;
	s5 =	simm.s32 @!p2 $0x0  }
0x1d: {  	s5 =	simm.s32 @p1 $0x1;
	p0 =	seq.s32 s7, s2  }
0x1e: {  	s7 =	smul.u32 @!p0 $0xF7A, s2;
	p2 =	seq.s32 @!p0 s5, $0x0  }
0x1f: {  	s9 =	smul.u32 $0xF7A, s1;
	s8 =	simm.s32 @!p0 $0x1BF5;
	p2 =	por !p2, p0  }
0x20: {  	[sflag:s8] =	ssyncset.s32 @!p0 $0xFFFFF086;
	s6 =	sadd.s32 @!p0 s3, s7;
	s7 =	simm.s32 @!p0 $0x108  }
0x21: {  	s3 =	sadd.s32 s3, s9;
	s6 =	sadd.s32 @!p0 $0x88, s6;
	s7 =	simm.s32 @p2 $0x1082  }
0x22: {  	[simem:s7], [sflag:s8] =	dma.local @!p0 [hbm:s6], $0xF7A  }
0x23: {  	s9 =	sor.u32 $0xD0000000, s2;
	s6 =	simm.s32 $0x108;
	_ =	swait.ge @!p0 [sflag:s8], $0x0  }
0x24: {  	s3 =	sadd.s32 $0x88, s3;
	s6 =	simm.s32 @!p1 $0x1082;
	[sflag:s4] =	ssyncset.s32 $0xFFFFF086  }
0x25: {  	[simem:s6], [sflag:s4] =	dma.local [hbm:s3], $0xF7A  }
0x26: {  	[smem:$0x3F95] =	sst s1;
	(tag) =	ssettag s2;
	_ =	strace s9  }
0x27: {  	s1 =	sld [smem:$0x3FA5]  }
0x28: {  	s2 =	sld [smem:$0x3FA6]  }
0x29: {  	s4 =	sld [smem:$0x3FA8]  }
0x2a: {  	p0 =	seq.s32 s5, $0x0;
	s5 =	sld [smem:$0x3FA9]  }
0x2b: {  	s6 =	sld [smem:$0x3FAA]  }
0x2c: {  	s7 =	sld [smem:$0x3FAB]  }
0x2d: {  	s3 =	simm.s32 $0x108;
	s8 =	sld [smem:$0x3FAC]  }
0x2e: {  	s3 =	simm.s32 @!p0 $0x1082;
	s9 =	sld [smem:$0x3FAD]  }
0x2f: {  	lr =	sadd.s32 s0, s3;
	s0 =	sld [smem:$0x3FA4]  }
0x30: {  	s3 =	sld [smem:$0x3FA7]  }
0x31: {  	[smem:$0x3FB0] =	sst s10  }
0x32: {  	s10 =	sld [smem:$0x3FAE];
	_ =	sdelay $0x3  }
0x33: {  	p0 =	seq.s32 s10, $0x1;
	s10 =	sld [smem:$0x3FB0];
	_ =	sdelay $0x3  }
0x34: {  	[smem:$0x3FB0] =	sst s10  }
0x35: {  	s10 =	sld [smem:$0x3FAF];
	_ =	sdelay $0x3  }
0x36: {  	p1 =	seq.s32 s10, $0x1;
	s10 =	sld [smem:$0x3FB0];
	_ =	sdelay $0x3  }
0x37: {  	[smem:$0x3FB0] =	sst s10  }
0x38: {  	s10 =	sld [smem:$0x3FB1]  }
0x39: {  	_ = 	snop;
	(pc) =	sbr.ind lr, $3  }
0x3a: {  	_ = 	snop  }
0x3b: {  	_ = 	snop  }
0x3c: {  	p2 =	seq.s32 s10, $0x1;
	s10 =	sld [smem:$0x3FB0]  }
0x3d: {  	_ =	shalt  }
0x3e: {  	_ =	shalt  }
0x3f: {  	_ =	shalt  }
0x40: {  	_ =	shalt  }
0x41: {  	_ =	shalt  }
0x42: {  	_ =	shalt  }
0x43: {  	_ =	shalt  }
0x44: {  	_ =	shalt  }
0x45: {  	_ =	shalt  }
0x46: {  	_ =	shalt  }
0x47: {  	_ =	shalt  }
0x48: {  	_ =	shalt  }
0x49: {  	_ =	shalt  }
0x4a: {  	_ =	shalt  }
0x4b: {  	_ =	shalt  }
0x4c: {  	_ =	shalt  }
0x4d: {  	_ =	shalt  }
0x4e: {  	_ =	shalt  }
0x4f: {  	_ =	shalt  }
0x50: {  	_ =	shalt  }
0x51: {  	_ =	shalt  }
0x52: {  	_ =	shalt  }
0x53: {  	_ =	shalt  }
0x54: {  	_ =	shalt  }
0x55: {  	_ =	shalt  }
0x56: {  	_ =	shalt  }
0x57: {  	_ =	shalt  }
0x58: {  	_ =	shalt  }
0x59: {  	_ =	shalt  }
0x5a: {  	_ =	shalt  }
0x5b: {  	_ =	shalt  }
0x5c: {  	_ =	shalt  }
0x5d: {  	_ =	shalt  }
0x5e: {  	_ =	shalt  }
0x5f: {  	_ =	shalt  }
0x60: {  	_ =	shalt  }
0x61: {  	_ =	shalt  }
0x62: {  	_ =	shalt  }
0x63: {  	_ =	shalt  }
0x64: {  	_ =	shalt  }
0x65: {  	_ =	shalt  }
0x66: {  	_ =	shalt  }
0x67: {  	_ =	shalt  }
0x68: {  	_ =	shalt  }
0x69: {  	_ =	shalt  }
0x6a: {  	_ =	shalt  }
0x6b: {  	_ =	shalt  }
0x6c: {  	_ =	shalt  }
0x6d: {  	_ =	shalt  }
0x6e: {  	_ =	shalt  }
0x6f: {  	_ =	shalt  }
0x70: {  	_ =	shalt  }
0x71: {  	_ =	shalt  }
0x72: {  	_ =	shalt  }
0x73: {  	_ =	shalt  }
0x74: {  	_ =	shalt  }
0x75: {  	_ =	shalt  }
0x76: {  	_ =	shalt  }
0x77: {  	_ =	shalt  }
0x78: {  	_ =	shalt  }
0x79: {  	_ =	shalt  }
0x7a: {  	_ =	shalt  }
0x7b: {  	_ =	shalt  }
0x7c: {  	_ =	shalt  }
0x7d: {  	_ =	shalt  }
0x7e: {  	_ =	shalt  }
0x7f: {  	_ =	shalt  }
0x80: {  	_ =	shalt  }
0x81: {  	_ =	shalt  }
0x82: {  	_ =	shalt  }
0x83: {  	_ =	shalt  }
0x84: {  	_ =	shalt  }
0x85: {  	_ =	shalt  }
0x86: {  	_ =	shalt  }
0x87: {  	_ =	shalt  }
.Lfunc_end0:
.L_simem_size_0:
called_computation.1_lowered:
.L_overlay_start_0:
0x88: {  	s2 =	sld [smem:$0x3FD9]  }
0x89: {  	s3 =	sld [smem:$0x3FFE];
	_ =	sdelay $0x1  }
0x8a: {  	s1 =	srdreg.scid  }
0x8b: {  	s0 =	sand.u32 $0x1, s1  }
0x8c: {  	s17 =	sshll.u32 s0, $0xA;
	s2 =	sadd.s32 s3, s2  }
0x8d: {  	s2 =	sadd.s32 s2, s17  }
0x8e: {  	[smem:$0x3FBC] =	sst s2  }
0x8f: {  	_ = 	snop  }
0x90: {  	s2 =	sld [smem:$0x3FC9];
	(tm) =	ssettm $0x1  }
0x91: {  	s18 =	sld [smem:$0x3FFB];
	_ =	sdelay $0x3  }
0x92: {  	_ =	strace s18  }
0x93: {  	s3 =	sld [smem:$0x3FFC];
	_ =	sdelay $0x3  }
0x94: {  	_ =	strace s3  }
0x95: {  	s3 =	sld [smem:$0x3FFD];
	_ =	sdelay $0x3  }
0x96: {  	_ =	strace s3  }
0x97: {  	_ =	strace $0x8FFFFFFF  }
0x98: {  	s19 =	sld [smem:$0x3FDB];
	_ =	sdelay $0x1  }
0x99: {  	s4 =	simm.s32 $_scs_section_size  }
0x9a: {  	s5 =	simm.s32 $_size__tile_overlayer_lowered;
	s6 =	simm.s32 $_tile_overlayer_lowered  }
0x9b: {  	s22 =	simm.s32 $0x1BFF;
	s21 =	sshll.u32 s6, $0x1;
	s3 =	sadd.s32 s4, s19  }
0x9c: {  	s7 =	simm.s32 $0x0;
	s20 =	sshll.u32 s5, $0x1;
	s5 =	sadd.s32 s21, s3  }
0x9d: {  	[timem:s7], [sflag:s22] =	dma.local [hbm:s5], s20  }
0x9e: {  	_ =	swait.ge [sflag:s22], s20  }
0x9f: {  	s4 =	ssub.s32 $0x0, s20;
	[sflag:s22] =	ssyncset.done $0x0  }
0xa0: {  	[sflag:s22] =	ssyncadd.s32 s4;
	_ =	sdelay $0x1  }
0xa1: {  	s23 =	simm.s32 $0x1B8B  }
0xa2: {  	_ =	swait.ge [sflag:s23], $0x1  }
0xa3: {  	[sflag:s23] =	ssyncset.done $0x0  }
0xa4: {  	s25 =	simm.s32 $0x1B8E;
	s24 =	sld [smem:$0x3FFE];
	[sflag:s23] =	ssyncadd.s32 $0xFFFFFFFF  }
0xa5: {  	s26 =	simm.s32 $execute0_lowered;
	[smem:$0x3FD2] =	sst s25  }
0xa6: {  	s5 =	sshll.u32 s26, $0x1;
	_ =	strace $0x80000046;
	[dreg:$0x1] =	wrdreg $0xFFFFFFFF  }
0xa7: {  	s28 =	simm.s32 $_size_execute0_lowered;
	s3 =	sadd.s32 s3, s5;
	[dreg:$0x0] =	wrdreg $0x0  }
0xa8: {  	s5 =	sshll.u32 s28, $0x1;
	[dreg:$0x2] =	wrdreg s3  }
0xa9: {  	[dreg:$0x3] =	wrdreg s5  }
0xaa: {  	[dreg:$0x4] =	wrdreg $0xC0  }
0xab: {  	_ =	task [dreg:s7], $0x5FFFF  }
0xac: {  	[dreg:$0x1] =	wrdreg $0xFFFFFFFF  }
0xad: {  	[dreg:$0x0] =	wrdreg $0x60  }
0xae: {  	[dreg:$0x2] =	wrdreg s2  }
0xaf: {  	[dreg:$0x3] =	wrdreg s24  }
0xb0: {  	[dreg:$0x4] =	wrdreg $0x29000  }
0xb1: {  	[dreg:$0x5] =	wrdreg $0xA  }
0xb2: {  	_ =	task.clear_ibuf [dreg:s7], $0x6FFFF;
	_ =	strace $0x90000046  }
0xb3: {  	s29 =	simm.s32 $0xA;
	_ =	strace $0x80000048  }
0xb4: {  	_ =	swait.ge [sflag:s29], $0x1  }
0xb5: {  	[sflag:s29] =	ssyncadd.s32 $0xFFFFFFFF  }
0xb6: {  	_ =	strace $0x90000048  }
0xb7: {  	_ =	sfence  }
0xb8: {  	s30 =	sld [smem:$0x0];
	_ =	sdelay $0x2  }
0xb9: {  	s31 =	sshll.u32 s1, $0xD;
	s1 =	sshrl.u32 s1, $0x2  }
0xba: {  	s3 =	sand.u32 $0x4000, s31;
	s1 =	sadd.s32 s1, s30  }
0xbb: {  	s0 =	sor.u32 s3, s0;
	s1 =	sshll.u32 s1, $0x11  }
0xbc: {  	s0 =	sor.u32 s1, s0  }
0xbd: {  	s0 =	sadd.s32 $0x8F2B, s0  }
0xbe: {  	[sflag:s0] =	ssyncadd.remote.s32 $0x1  }
0xbf: {  	_ =	sfence.sel $0xFFFF  }
0xc0: {  	[dreg:$0x0] =	wrdreg $0xFFFFFFFF;
	(pc) =	sbr.abs _section_cstart, $3  }
0xc1: {  	[dreg:$0x1] =	wrdreg $0xFFFFFFFF  }
0xc2: {  	_ =	task.clear_ibuf [dreg:s7], $0x2FFFF;
	_ =	strace $0x9FFFFFFF  }
0xc3: {  	(tm) =	ssettm $0x7FFFFFFF  }
tec
execute0_lowered:
.L_overlay_start_1:
0x0: {  	(tag) =	ssettag $0x1  }
0x1: {  	s1 =	rddreg [dreg:$0x0]  }
0x2: {  	s0 =	srdreg.scid;
	s2 =	rddreg [dreg:$0x1]  }
0x3: {  	s25 =	stileid.u32;
	s3 =	rddreg [dreg:$0x2]  }
0x4: {  	s4 =	simm.s32 $0x0;
	s28 =	simm.s32 $0x80;
	s29 =	simm.s32 $0x50  }
0x5: {  	s30 =	simm.s32 $0x1;
	s31 =	simm.s32 $0x0;
	s6 =	smul.u32 $0x2710, s25  }
0x6: {  	s0 =	sand.u32 $0x1, s0;
	[smem:$0x7FF] =	sst s4;
	s19 =	smul.u32 $0x4E000, s25  }
0x7: {  	s20 =	sadd.s32 $0x16400, s2;
	p0 =	sne.s32 s25, $0xF;
	s5 =	smul.u32 $0x27100, s0  }
0x8: {  	_ =	strace $0x80000047;
	s7 =	smul.u32 $0x138800, s0;
	s0 =	ssub.s32 $0x2, s0  }
0x9: {  	[dreg:$0x4] =	wrdreg s20;
	s8 =	sshrl.u32 s0, $0x1;
	s22 =	sshrl.u32 s19, $0x2  }
0xa: {  	s5 =	sadd.s32 s6, s5;
	s9 =	ssub.s32 s0, s8;
	s21 =	sshrl.u32 s7, $0x3  }
0xb: {  	s6 =	sadd.s32 $0x138000, s3;
	s0 =	sadd.s32 s22, s3;
	s5 =	sshrl.u32 s5, $0x3  }
0xc: {  	s26 =	smax.u32 s9, $0x1;
	s11 =	sadd.s32 $0x3000, s0;
	s12 =	sadd.s32 $0x4800, s0  }
0xd: {  	s13 =	sadd.s32 $0x6000, s0;
	s14 =	sadd.s32 $0x7800, s0;
	s15 =	sadd.s32 $0x9000, s0  }
0xe: {  	s16 =	sadd.s32 $0xA800, s0;
	s17 =	sadd.s32 $0xC000, s0;
	s18 =	sadd.s32 $0xD800, s0  }
0xf: {  	s19 =	sadd.s32 $0xF000, s0;
	s23 =	sadd.s32 s5, s2;
	s2 =	sadd.s32 $0x16800, s2  }
0x10: {  	s20 =	sadd.s32 $0x10800, s0;
	s10 =	sadd.s32 s2, s21;
	s21 =	smul.u32 $0x13800, s25  }
0x11: {  	[dreg:$0x6] =	wrdreg s26;
	s26 =	simm.s32 $0x2;
	s22 =	sadd.s32 $0x2800, s23  }
0x12: {  	s23 =	sadd.s32 $0xC600, s23;
	s25 =	simm.s32 $0x100;
	s7 =	sadd.s32 s21, s7  }
0x13: {  	s24 =	sadd.s32 $0x27000, s10;
	s10 =	sadd.s32 $0x1800, s0;
	s7 =	sshrl.u32 s7, $0x3  }
0x14: {  	[dreg:$0x5] =	wrdreg s24;
	s21 =	sadd.s32 $0x12000, s0;
	s24 =	sadd.s32 s7, s2  }
.LBB2_1:
0x15: {  	s2 =	rddreg [dreg:$0x4]  }
0x16: {  	[tilespmem:s25], [sflag:$0x2] =	stream.linear.gather [hbm4b:s2+s4], $0x1800, $0x38;
	[tilespmem:$0x16180] =	vst v63  }
0x17: {  	_ =	swait.ge [sflag:s26], $0x1800  }
0x18: {  	[sflag:s26] =	ssyncset.done $0x0  }
0x19: {  	[sflag:s26] =	ssyncadd.s32 $0xFFFFE800  }
0x1a: {  	[spmem:s0] =	stream.linear.scatter [tilespmem:s25], [sflag:$0x2], $0x1800, $0x38;
	[tilespmem:$0x16180] =	vst v63  }
0x1b: {  	_ =	swait.ge [sflag:s26], $0x1800  }
0x1c: {  	[sflag:s26] =	ssyncset.done $0x0  }
0x1d: {  	[sflag:s26] =	ssyncadd.s32 $0xFFFFE800  }
0x1e: {  	[spmem:s10] =	stream.linear.scatter [tilespmem:s25], [sflag:$0x2], $0x1800, $0x38;
	[tilespmem:$0x16180] =	vst v63  }
0x1f: {  	_ =	swait.ge [sflag:s26], $0x1800  }
0x20: {  	[sflag:s26] =	ssyncset.done $0x0  }
0x21: {  	[sflag:s26] =	ssyncadd.s32 $0xFFFFE800  }
0x22: {  	[spmem:s11] =	stream.linear.scatter [tilespmem:s25], [sflag:$0x2], $0x1800, $0x38;
	[tilespmem:$0x16180] =	vst v63  }
0x23: {  	_ =	swait.ge [sflag:s26], $0x1800  }
0x24: {  	[sflag:s26] =	ssyncset.done $0x0  }
0x25: {  	[sflag:s26] =	ssyncadd.s32 $0xFFFFE800  }
0x26: {  	[spmem:s12] =	stream.linear.scatter [tilespmem:s25], [sflag:$0x2], $0x1800, $0x38;
	[tilespmem:$0x16180] =	vst v63  }
0x27: {  	_ =	swait.ge [sflag:s26], $0x1800  }
0x28: {  	[sflag:s26] =	ssyncset.done $0x0  }
0x29: {  	[sflag:s26] =	ssyncadd.s32 $0xFFFFE800  }
0x2a: {  	[spmem:s13] =	stream.linear.scatter [tilespmem:s25], [sflag:$0x2], $0x1800, $0x38;
	[tilespmem:$0x16180] =	vst v63  }
0x2b: {  	_ =	swait.ge [sflag:s26], $0x1800  }
0x2c: {  	[sflag:s26] =	ssyncset.done $0x0  }
0x2d: {  	[sflag:s26] =	ssyncadd.s32 $0xFFFFE800  }
0x2e: {  	[spmem:s14] =	stream.linear.scatter [tilespmem:s25], [sflag:$0x2], $0x1800, $0x38;
	[tilespmem:$0x16180] =	vst v63  }
0x2f: {  	_ =	swait.ge [sflag:s26], $0x1800  }
0x30: {  	[sflag:s26] =	ssyncset.done $0x0  }
0x31: {  	[sflag:s26] =	ssyncadd.s32 $0xFFFFE800  }
0x32: {  	[spmem:s15] =	stream.linear.scatter [tilespmem:s25], [sflag:$0x2], $0x1800, $0x38;
	[tilespmem:$0x16180] =	vst v63  }
0x33: {  	_ =	swait.ge [sflag:s26], $0x1800  }
0x34: {  	[sflag:s26] =	ssyncset.done $0x0  }
0x35: {  	[sflag:s26] =	ssyncadd.s32 $0xFFFFE800  }
0x36: {  	[spmem:s16] =	stream.linear.scatter [tilespmem:s25], [sflag:$0x2], $0x1800, $0x38;
	[tilespmem:$0x16180] =	vst v63  }
0x37: {  	_ =	swait.ge [sflag:s26], $0x1800  }
0x38: {  	[sflag:s26] =	ssyncset.done $0x0  }
0x39: {  	[sflag:s26] =	ssyncadd.s32 $0xFFFFE800  }
0x3a: {  	[spmem:s17] =	stream.linear.scatter [tilespmem:s25], [sflag:$0x2], $0x1800, $0x38;
	[tilespmem:$0x16180] =	vst v63  }
0x3b: {  	_ =	swait.ge [sflag:s26], $0x1800  }
0x3c: {  	[sflag:s26] =	ssyncset.done $0x0  }
0x3d: {  	[sflag:s26] =	ssyncadd.s32 $0xFFFFE800  }
0x3e: {  	[spmem:s18] =	stream.linear.scatter [tilespmem:s25], [sflag:$0x2], $0x1800, $0x38;
	[tilespmem:$0x16180] =	vst v63  }
0x3f: {  	_ =	swait.ge [sflag:s26], $0x1800  }
0x40: {  	[sflag:s26] =	ssyncset.done $0x0  }
0x41: {  	[sflag:s26] =	ssyncadd.s32 $0xFFFFE800  }
0x42: {  	[spmem:s19] =	stream.linear.scatter [tilespmem:s25], [sflag:$0x2], $0x1800, $0x38;
	[tilespmem:$0x16180] =	vst v63  }
0x43: {  	_ =	swait.ge [sflag:s26], $0x1800  }
0x44: {  	[sflag:s26] =	ssyncset.done $0x0  }
0x45: {  	[sflag:s26] =	ssyncadd.s32 $0xFFFFE800  }
0x46: {  	[spmem:s20] =	stream.linear.scatter [tilespmem:s25], [sflag:$0x2], $0x1800, $0x38;
	[tilespmem:$0x16180] =	vst v63  }
0x47: {  	_ =	swait.ge [sflag:s26], $0x1800  }
0x48: {  	[sflag:s26] =	ssyncset.done $0x0  }
0x49: {  	[sflag:s26] =	ssyncadd.s32 $0xFFFFE800  }
0x4a: {  	[spmem:s21] =	stream.linear.scatter [tilespmem:s25], [sflag:$0x2], $0x1800, $0x38;
	[tilespmem:$0x16180] =	vst v63  }
0x4b: {  	_ =	swait.ge [sflag:s26], $0x1800  }
0x4c: {  	[sflag:s26] =	ssyncset.done $0x0  }
0x4d: {  	s2 =	simm.s32 @!p0 $0x100;
	[sflag:s26] =	ssyncadd.s32 $0xFFFFE800  }
0x4e: {  	[spmem:s6] =	stream.linear.scatter @!p0 [tilespmem:s2], [sflag:$0x2], $0x800, $0x38;
	[tilespmem:$0x16180] =	vst v63  }
0x4f: {  	s2 =	simm.s32 @!p0 $0x2  }
0x50: {  	_ =	swait.ge @!p0 [sflag:s2], $0x800  }
0x51: {  	[sflag:s2] =	ssyncset.done @!p0 $0x0  }
0x52: {  	[sflag:s2] =	ssyncadd.s32 @!p0 $0xFFFFF800  }
0x53: {  	s8 =	sadd.s32 $0x0, s23;
	[bflag:$0x0] =	sbarrier.arrive $0xFFFF  }
0x54: {  	[tilespmem:s4], [sflag:$0x2] =	stream.linear.gather [hbm4b:s8+s4], $0x50, $0x38;
	[tilespmem:$0x16180] =	vst v63  }
0x55: {  	_ =	swait.ge [sflag:s26], $0x50  }
0x56: {  	[sflag:s26] =	ssyncset.done $0x0  }
0x57: {  	s9 =	sadd.s32 $0x0, s22;
	[sflag:s26] =	ssyncadd.s32 $0xFFFFFFB0  }
0x58: {  	[tilespmem:s28], [sflag:$0x2] =	stream.linear.gather [hbm4b:s9+s4], $0x50, $0x38;
	[tilespmem:$0x16180] =	vst v63  }
0x59: {  	_ =	swait.ge [sflag:s26], $0x50  }
0x5a: {  	[sflag:s26] =	ssyncset.done $0x0  }
0x5b: {  	[sflag:s26] =	ssyncadd.s32 $0xFFFFFFB0  }
0x5c: {  	[tilespmem:s25], [sflag:$0x1] =	stream.indirect.gather [hbm4b:s1+s29], $0x80, s4, s29, $0xb8;
	[tilespmem:$0x16180] =	vst v63  }
0x5d: {  	_ =	swait.ge [sflag:s30], $0x2800  }
0x5e: {  	[sflag:s30] =	ssyncset.done $0x0  }
0x5f: {  	[sflag:s30] =	ssyncadd.s32 $0xFFFFD800  }
0x60: {  	[spmem:s3] =	stream.indirect.scatter.add.f32 [tilespmem:s25], [sflag:$0x2], $0x80, s28, s29, $0xb8;
	[tilespmem:$0x16180] =	vst v63  }
0x61: {  	_ =	swait.ge [sflag:s26], $0x2800  }
0x62: {  	s7 =	simm.s32 $0x14;
	s2 =	simm.s32 $0xA;
	[sflag:s26] =	ssyncset.done $0x0  }
.LBB2_2:
0x63: {  	s5 =	sadd.s32 s2, s23  }
0x64: {  	[sflag:s26] =	ssyncadd.s32 $0xFFFFD800;
	s8 =	smov.u32 s7;
	s9 =	sadd.s32 $0xA, s7  }
0x65: {  	[tilespmem:s4], [sflag:$0x2] =	stream.linear.gather [hbm4b:s5+s4], $0x50, $0x38;
	[tilespmem:$0x16180] =	vst v63  }
0x66: {  	p1 =	sne.s32 s7, $0x4D8;
	_ =	swait.ge [sflag:s26], $0x50  }
0x67: {  	[sflag:s26] =	ssyncset.done $0x0  }
0x68: {  	s5 =	sadd.s32 s2, s22;
	s2 =	smov.u32 s8;
	[sflag:s26] =	ssyncadd.s32 $0xFFFFFFB0  }
0x69: {  	[tilespmem:s28], [sflag:$0x2] =	stream.linear.gather [hbm4b:s5+s4], $0x50, $0x38;
	[tilespmem:$0x16180] =	vst v63  }
0x6a: {  	_ =	swait.ge [sflag:s26], $0x50  }
0x6b: {  	[sflag:s26] =	ssyncset.done $0x0  }
0x6c: {  	[sflag:s26] =	ssyncadd.s32 $0xFFFFFFB0  }
0x6d: {  	[tilespmem:s25], [sflag:$0x1] =	stream.indirect.gather [hbm4b:s1+s29], $0x80, s4, s29, $0xb8;
	[tilespmem:$0x16180] =	vst v63  }
0x6e: {  	_ =	swait.ge [sflag:s30], $0x2800  }
.Ltmp0:
0x6f: {  	[sflag:s30] =	ssyncset.done $0x0;
	(pc) =	sbr.rel @p1 .LBB2_2-.Ltmp0, $4  }
0x70: {  	[sflag:s30] =	ssyncadd.s32 $0xFFFFD800  }
0x71: {  	[spmem:s3] =	stream.indirect.scatter.add.f32 [tilespmem:s25], [sflag:$0x2], $0x80, s28, s29, $0xb8;
	[tilespmem:$0x16180] =	vst v63  }
0x72: {  	_ =	swait.ge [sflag:s26], $0x2800  }
0x73: {  	s7 =	smov.u32 s9;
	[sflag:s26] =	ssyncset.done $0x0  }
0x74: {  	s5 =	sadd.s32 s2, s23;
	[sflag:s26] =	ssyncadd.s32 $0xFFFFD800  }
0x75: {  	[tilespmem:s4], [sflag:$0x2] =	stream.linear.gather [hbm4b:s5+s4], $0x50, $0x38;
	[tilespmem:$0x16180] =	vst v63  }
0x76: {  	_ =	swait.ge [sflag:s26], $0x50  }
0x77: {  	[sflag:s26] =	ssyncset.done $0x0  }
0x78: {  	s8 =	sadd.s32 s2, s22;
	[sflag:s26] =	ssyncadd.s32 $0xFFFFFFB0  }
0x79: {  	[tilespmem:s28], [sflag:$0x2] =	stream.linear.gather [hbm4b:s8+s4], $0x50, $0x38;
	[tilespmem:$0x16180] =	vst v63  }
0x7a: {  	_ =	swait.ge [sflag:s26], $0x50  }
0x7b: {  	[sflag:s26] =	ssyncset.done $0x0  }
0x7c: {  	[sflag:s26] =	ssyncadd.s32 $0xFFFFFFB0  }
0x7d: {  	[tilespmem:s25], [sflag:$0x1] =	stream.indirect.gather [hbm4b:s1+s29], $0x80, s4, s29, $0xb8;
	[tilespmem:$0x16180] =	vst v63  }
0x7e: {  	_ =	swait.ge [sflag:s30], $0x2800  }
0x7f: {  	[sflag:s30] =	ssyncset.done $0x0  }
0x80: {  	[sflag:s30] =	ssyncadd.s32 $0xFFFFD800  }
0x81: {  	[spmem:s3] =	stream.indirect.scatter.add.f32 [tilespmem:s25], [sflag:$0x2], $0x80, s28, s29, $0xb8;
	[tilespmem:$0x16180] =	vst v63  }
0x82: {  	_ =	swait.ge [sflag:s26], $0x2800  }
0x83: {  	[sflag:s26] =	ssyncset.done $0x0  }
0x84: {  	[sflag:s26] =	ssyncadd.s32 $0xFFFFD800  }
0x85: {  	[bflag:$0x0] =	sbarrier.arrive $0xFFFF  }
0x86: {  	[tilespmem:s25], [sflag:$0x2] =	stream.linear.gather [spmem:s0], $0x1800, $0x38;
	[tilespmem:$0x16180] =	vst v63  }
0x87: {  	_ =	swait.ge [sflag:s26], $0x1800  }
0x88: {  	[sflag:s26] =	ssyncset.done $0x0  }
0x89: {  	s9 =	sadd.s32 $0x0, s24;
	[sflag:s26] =	ssyncadd.s32 $0xFFFFE800  }
0x8a: {  	[hbm4b:s9+s4] =	stream.linear.scatter [tilespmem:s25], [sflag:$0x2], $0x1800, $0x38;
	[tilespmem:$0x16180] =	vst v63  }
0x8b: {  	_ =	swait.ge [sflag:s26], $0x1800  }
0x8c: {  	s2 =	simm.s32 $0x300;
	s7 =	smov.u32 s0;
	[sflag:s26] =	ssyncset.done $0x0  }
.LBB2_4:
0x8d: {  	p1 =	sne.s32 s2, $0x2400;
	[sflag:s26] =	ssyncadd.s32 $0xFFFFE800;
	s7 =	sadd.s32 $0x1800, s7  }
0x8e: {  	[tilespmem:s25], [sflag:$0x2] =	stream.linear.gather [spmem:s7], $0x1800, $0x38;
	[tilespmem:$0x16180] =	vst v63  }
0x8f: {  	s5 =	smov.u32 s2;
	s2 =	sadd.s32 $0x300, s2;
	_ =	swait.ge [sflag:s26], $0x1800  }
.Ltmp1:
0x90: {  	[sflag:s26] =	ssyncset.done $0x0;
	(pc) =	sbr.rel @p1 .LBB2_4-.Ltmp1, $4  }
0x91: {  	s5 =	sadd.s32 s5, s24;
	[sflag:s26] =	ssyncadd.s32 $0xFFFFE800  }
0x92: {  	[hbm4b:s5+s4] =	stream.linear.scatter [tilespmem:s25], [sflag:$0x2], $0x1800, $0x38;
	[tilespmem:$0x16180] =	vst v63  }
0x93: {  	_ =	swait.ge [sflag:s26], $0x1800  }
0x94: {  	[sflag:s26] =	ssyncset.done $0x0  }
0x95: {  	[sflag:s26] =	ssyncadd.s32 $0xFFFFE800;
	s2 =	simm.s32 @!p0 $0x100;
	s5 =	simm.s32 @!p0 $0x2  }
0x96: {  	[tilespmem:s2], [sflag:$0x2] =	stream.linear.gather @!p0 [spmem:s6], $0x800, $0x38;
	[tilespmem:$0x16180] =	vst v63  }
0x97: {  	_ =	swait.ge @!p0 [sflag:s5], $0x800  }
0x98: {  	[sflag:s5] =	ssyncset.done @!p0 $0x0  }
0x99: {  	s7 =	simm.s32 @!p0 $0x0;
	s8 =	rddreg [dreg:$0x5];
	[sflag:s5] =	ssyncadd.s32 @!p0 $0xFFFFF800  }
0x9a: {  	[hbm4b:s8+s7] =	stream.linear.scatter @!p0 [tilespmem:s2], [sflag:$0x2], $0x800, $0x38;
	[tilespmem:$0x16180] =	vst v63  }
0x9b: {  	_ =	swait.ge @!p0 [sflag:s5], $0x800  }
0x9c: {  	s31 =	sadd.s32 $0x1, s31;
	s9 =	rddreg [dreg:$0x6]  }
0x9d: {  	p1 =	sne.s32 s31, s9  }
.Ltmp2:
0x9e: {  	_ = 	snop;
	(pc) =	sbr.rel @p1 .LBB2_1-.Ltmp2, $3  }
0x9f: {  	_ =	sdelay $0x1  }
0xa0: {  	[sflag:s5] =	ssyncset.done @!p0 $0x0  }
0xa1: {  	[sflag:s5] =	ssyncadd.s32 @!p0 $0xFFFFF800  }
0xa2: {  	_ =	sfence.sel $0x180000  }
0xa3: {  	[bflag:$0x0] =	sbarrier.arrive $0xFFFF  }
0xa4: {  	_ =	strace $0x90000047  }
0xa5: {  	s0 =	stileid.u32;
	[bflag:$0x2] =	sbarrier.arrive $0xFFFF  }
0xa6: {  	p0 =	sne.s32 s0, $0x0;
	s0 =	rddreg [dreg:$0x3]  }
0xa7: {  	s0 =	sadd.s32 @!p0 $0x100000, s0  }
0xa8: {  	[sflag:s0] =	ssyncadd.tile.s32 @!p0 $0x1;
	_ =	shalt  }
.Lfunc_end2:
_tile_overlayer_lowered:
.L_overlay_start_2:
0xa9: {  	(tag) =	ssettag $0x2  }
0xaa: {  	s0 =	rddreg [dreg:$0x0];
	s2 =	stileid.u32  }
0xab: {  	s1 =	rddreg [dreg:$0x1];
	p0 =	sne.s32 s2, $0x0  }
0xac: {  	s3 =	rddreg [dreg:$0x2];
	[bflag:$0x3] =	sbarrier.arrive $0xFFFF;
	s2 =	simm.s32 @!p0 $0x1C02  }
0xad: {  	[timem:s3], [sflag:s2] =	dma.local @!p0 [hbm:s0], s1  }
0xae: {  	s0 =	simm.s32 @!p0 $0x2  }
0xaf: {  	_ =	swait.ge @!p0 [sflag:s0], s1  }
0xb0: {  	s1 =	ssub.s32 @!p0 $0x0, s1;
	[sflag:s0] =	ssyncset.done @!p0 $0x0  }
0xb1: {  	[sflag:s0] =	ssyncadd.s32 @!p0 s1  }
0xb2: {  	[bflag:$0x3] =	sbarrier.arrive $0xFFFF  }
0xb3: {  	_ =	shalt  }

// kernel: kernel.13.cloned.1.call-start
scs
__scs_entry_jumppad:
0x0: {  	(pc) =	sbr.rel $0x88, $3  }
0x1: {  	(tag) =	ssettag $0x0;
	lr =	simm.s32 $0x1  }
0x2: {  	[smem:$0x3F95] =	sst lr;
	_ =	strace $0xD0000000  }
0x3: {  	_ = 	snop  }
0x4: {  	_ = 	snop  }
0x5: {  	_ = 	snop  }
0x6: {  	_ = 	snop  }
0x7: {  	_ = 	snop  }
__scs_overlays_trampoline_lowered:
0x8: {  	[smem:$0x3FA4] =	sst s0  }
0x9: {  	[smem:$0x3FA5] =	sst s1  }
0xa: {  	[smem:$0x3FA6] =	sst s2  }
0xb: {  	[smem:$0x3FA7] =	sst s3  }
0xc: {  	[smem:$0x3FA8] =	sst s4  }
0xd: {  	[smem:$0x3FA9] =	sst s5  }
0xe: {  	[smem:$0x3FAA] =	sst s6  }
0xf: {  	[smem:$0x3FAB] =	sst s7  }
0x10: {  	[smem:$0x3FAC] =	sst s8  }
0x11: {  	[smem:$0x3FAD] =	sst s9;
	s0 =	simm.s32 @!p0 $0x0  }
0x12: {  	s1 =	sld [smem:$0x3F93];
	s0 =	simm.s32 @p0 $0x1  }
0x13: {  	[smem:$0x3FAE] =	sst s0;
	s0 =	simm.s32 @!p1 $0x0  }
0x14: {  	s2 =	sld [smem:$0x3F92];
	s0 =	simm.s32 @p1 $0x1  }
0x15: {  	[smem:$0x3FAF] =	sst s0;
	s0 =	simm.s32 @!p2 $0x0  }
0x16: {  	s3 =	sld [smem:$0x3FDB];
	s0 =	simm.s32 @p2 $0x1  }
0x17: {  	s4 =	simm.s32 $0x1BF5;
	[smem:$0x3FB1] =	sst s0  }
0x18: {  	s0 =	sld [smem:$0x3F94];
	_ =	swait.ge [sflag:s4], $0x0  }
0x19: {  	s7 =	sld [smem:$0x3F95]  }
0x1a: {  	s8 =	sadd.s32 $0xFFFFE003, lr  }
0x1b: {  	s9 =	sadd.s32 $0xFFFFFEF7, lr;
	s5 =	simm.s32 $0xFFFFFFFF;
	p2 =	slt.u32 s8, $0xFFFFF086  }
0x1c: {  	p1 =	slt.u32 s9, $0xF7A;
	s5 =	simm.s32 @!p2 $0x0  }
0x1d: {  	s5 =	simm.s32 @p1 $0x1;
	p0 =	seq.s32 s7, s2  }
0x1e: {  	s7 =	smul.u32 @!p0 $0xF7A, s2;
	p2 =	seq.s32 @!p0 s5, $0x0  }
0x1f: {  	s9 =	smul.u32 $0xF7A, s1;
	s8 =	simm.s32 @!p0 $0x1BF5;
	p2 =	por !p2, p0  }
0x20: {  	[sflag:s8] =	ssyncset.s32 @!p0 $0xFFFFF086;
	s6 =	sadd.s32 @!p0 s3, s7;
	s7 =	simm.s32 @!p0 $0x108  }
0x21: {  	s3 =	sadd.s32 s3, s9;
	s6 =	sadd.s32 @!p0 $0x88, s6;
	s7 =	simm.s32 @p2 $0x1082  }
0x22: {  	[simem:s7], [sflag:s8] =	dma.local @!p0 [hbm:s6], $0xF7A  }
0x23: {  	s9 =	sor.u32 $0xD0000000, s2;
	s6 =	simm.s32 $0x108;
	_ =	swait.ge @!p0 [sflag:s8], $0x0  }
0x24: {  	s3 =	sadd.s32 $0x88, s3;
	s6 =	simm.s32 @!p1 $0x1082;
	[sflag:s4] =	ssyncset.s32 $0xFFFFF086  }
0x25: {  	[simem:s6], [sflag:s4] =	dma.local [hbm:s3], $0xF7A  }
0x26: {  	[smem:$0x3F95] =	sst s1;
	(tag) =	ssettag s2;
	_ =	strace s9  }
0x27: {  	s1 =	sld [smem:$0x3FA5]  }
0x28: {  	s2 =	sld [smem:$0x3FA6]  }
0x29: {  	s4 =	sld [smem:$0x3FA8]  }
0x2a: {  	p0 =	seq.s32 s5, $0x0;
	s5 =	sld [smem:$0x3FA9]  }
0x2b: {  	s6 =	sld [smem:$0x3FAA]  }
0x2c: {  	s7 =	sld [smem:$0x3FAB]  }
0x2d: {  	s3 =	simm.s32 $0x108;
	s8 =	sld [smem:$0x3FAC]  }
0x2e: {  	s3 =	simm.s32 @!p0 $0x1082;
	s9 =	sld [smem:$0x3FAD]  }
0x2f: {  	lr =	sadd.s32 s0, s3;
	s0 =	sld [smem:$0x3FA4]  }
0x30: {  	s3 =	sld [smem:$0x3FA7]  }
0x31: {  	[smem:$0x3FB0] =	sst s10  }
0x32: {  	s10 =	sld [smem:$0x3FAE];
	_ =	sdelay $0x3  }
0x33: {  	p0 =	seq.s32 s10, $0x1;
	s10 =	sld [smem:$0x3FB0];
	_ =	sdelay $0x3  }
0x34: {  	[smem:$0x3FB0] =	sst s10  }
0x35: {  	s10 =	sld [smem:$0x3FAF];
	_ =	sdelay $0x3  }
0x36: {  	p1 =	seq.s32 s10, $0x1;
	s10 =	sld [smem:$0x3FB0];
	_ =	sdelay $0x3  }
0x37: {  	[smem:$0x3FB0] =	sst s10  }
0x38: {  	s10 =	sld [smem:$0x3FB1]  }
0x39: {  	_ = 	snop;
	(pc) =	sbr.ind lr, $3  }
0x3a: {  	_ = 	snop  }
0x3b: {  	_ = 	snop  }
0x3c: {  	p2 =	seq.s32 s10, $0x1;
	s10 =	sld [smem:$0x3FB0]  }
0x3d: {  	_ =	shalt  }
0x3e: {  	_ =	shalt  }
0x3f: {  	_ =	shalt  }
0x40: {  	_ =	shalt  }
0x41: {  	_ =	shalt  }
0x42: {  	_ =	shalt  }
0x43: {  	_ =	shalt  }
0x44: {  	_ =	shalt  }
0x45: {  	_ =	shalt  }
0x46: {  	_ =	shalt  }
0x47: {  	_ =	shalt  }
0x48: {  	_ =	shalt  }
0x49: {  	_ =	shalt  }
0x4a: {  	_ =	shalt  }
0x4b: {  	_ =	shalt  }
0x4c: {  	_ =	shalt  }
0x4d: {  	_ =	shalt  }
0x4e: {  	_ =	shalt  }
0x4f: {  	_ =	shalt  }
0x50: {  	_ =	shalt  }
0x51: {  	_ =	shalt  }
0x52: {  	_ =	shalt  }
0x53: {  	_ =	shalt  }
0x54: {  	_ =	shalt  }
0x55: {  	_ =	shalt  }
0x56: {  	_ =	shalt  }
0x57: {  	_ =	shalt  }
0x58: {  	_ =	shalt  }
0x59: {  	_ =	shalt  }
0x5a: {  	_ =	shalt  }
0x5b: {  	_ =	shalt  }
0x5c: {  	_ =	shalt  }
0x5d: {  	_ =	shalt  }
0x5e: {  	_ =	shalt  }
0x5f: {  	_ =	shalt  }
0x60: {  	_ =	shalt  }
0x61: {  	_ =	shalt  }
0x62: {  	_ =	shalt  }
0x63: {  	_ =	shalt  }
0x64: {  	_ =	shalt  }
0x65: {  	_ =	shalt  }
0x66: {  	_ =	shalt  }
0x67: {  	_ =	shalt  }
0x68: {  	_ =	shalt  }
0x69: {  	_ =	shalt  }
0x6a: {  	_ =	shalt  }
0x6b: {  	_ =	shalt  }
0x6c: {  	_ =	shalt  }
0x6d: {  	_ =	shalt  }
0x6e: {  	_ =	shalt  }
0x6f: {  	_ =	shalt  }
0x70: {  	_ =	shalt  }
0x71: {  	_ =	shalt  }
0x72: {  	_ =	shalt  }
0x73: {  	_ =	shalt  }
0x74: {  	_ =	shalt  }
0x75: {  	_ =	shalt  }
0x76: {  	_ =	shalt  }
0x77: {  	_ =	shalt  }
0x78: {  	_ =	shalt  }
0x79: {  	_ =	shalt  }
0x7a: {  	_ =	shalt  }
0x7b: {  	_ =	shalt  }
0x7c: {  	_ =	shalt  }
0x7d: {  	_ =	shalt  }
0x7e: {  	_ =	shalt  }
0x7f: {  	_ =	shalt  }
0x80: {  	_ =	shalt  }
0x81: {  	_ =	shalt  }
0x82: {  	_ =	shalt  }
0x83: {  	_ =	shalt  }
0x84: {  	_ =	shalt  }
0x85: {  	_ =	shalt  }
0x86: {  	_ =	shalt  }
0x87: {  	_ =	shalt  }
.Lfunc_end0:
.L_simem_size_0:
called_computation.2_lowered:
.L_overlay_start_0:
0x88: {  	s2 =	sld [smem:$0x3FD9]  }
0x89: {  	s3 =	sld [smem:$0x3FFE];
	_ =	sdelay $0x1  }
0x8a: {  	s1 =	srdreg.scid  }
0x8b: {  	s0 =	sand.u32 $0x1, s1  }
0x8c: {  	s17 =	sshll.u32 s0, $0xA;
	s2 =	sadd.s32 s3, s2  }
0x8d: {  	s2 =	sadd.s32 s2, s17  }
0x8e: {  	[smem:$0x3FBC] =	sst s2  }
0x8f: {  	_ = 	snop  }
0x90: {  	s2 =	sld [smem:$0x3FD0];
	(tm) =	ssettm $0x1  }
0x91: {  	s18 =	sld [smem:$0x3FFB];
	_ =	sdelay $0x3  }
0x92: {  	_ =	strace s18  }
0x93: {  	s3 =	sld [smem:$0x3FFC];
	_ =	sdelay $0x3  }
0x94: {  	_ =	strace s3  }
0x95: {  	s3 =	sld [smem:$0x3FFD];
	_ =	sdelay $0x3  }
0x96: {  	_ =	strace s3  }
0x97: {  	_ =	strace $0x8FFFFFFF  }
0x98: {  	s19 =	sld [smem:$0x3FDB];
	_ =	sdelay $0x1  }
0x99: {  	s4 =	simm.s32 $_scs_section_size  }
0x9a: {  	s5 =	simm.s32 $_size__tile_overlayer_lowered;
	s6 =	simm.s32 $_tile_overlayer_lowered  }
0x9b: {  	s22 =	simm.s32 $0x1BFF;
	s21 =	sshll.u32 s6, $0x1;
	s3 =	sadd.s32 s4, s19  }
0x9c: {  	s7 =	simm.s32 $0x0;
	s20 =	sshll.u32 s5, $0x1;
	s5 =	sadd.s32 s21, s3  }
0x9d: {  	[timem:s7], [sflag:s22] =	dma.local [hbm:s5], s20  }
0x9e: {  	_ =	swait.ge [sflag:s22], s20  }
0x9f: {  	s4 =	ssub.s32 $0x0, s20;
	[sflag:s22] =	ssyncset.done $0x0  }
0xa0: {  	[sflag:s22] =	ssyncadd.s32 s4;
	_ =	sdelay $0x1  }
0xa1: {  	s23 =	simm.s32 $0x1B8B  }
0xa2: {  	_ =	swait.ge [sflag:s23], $0x1  }
0xa3: {  	[sflag:s23] =	ssyncset.done $0x0  }
0xa4: {  	s25 =	simm.s32 $0x1B8E;
	s24 =	sld [smem:$0x3FFE];
	[sflag:s23] =	ssyncadd.s32 $0xFFFFFFFF  }
0xa5: {  	s26 =	simm.s32 $execute0_lowered;
	[smem:$0x3FD2] =	sst s25  }
0xa6: {  	s5 =	sshll.u32 s26, $0x1;
	_ =	strace $0x8000004C;
	[dreg:$0x1] =	wrdreg $0xFFFFFFFF  }
0xa7: {  	s28 =	simm.s32 $_size_execute0_lowered;
	s3 =	sadd.s32 s3, s5;
	[dreg:$0x0] =	wrdreg $0x0  }
0xa8: {  	s5 =	sshll.u32 s28, $0x1;
	[dreg:$0x2] =	wrdreg s3  }
0xa9: {  	[dreg:$0x3] =	wrdreg s5  }
0xaa: {  	[dreg:$0x4] =	wrdreg $0xC0  }
0xab: {  	_ =	task [dreg:s7], $0x5FFFF  }
0xac: {  	[dreg:$0x1] =	wrdreg $0xFFFFFFFF  }
0xad: {  	[dreg:$0x0] =	wrdreg $0x60  }
0xae: {  	[dreg:$0x2] =	wrdreg s2  }
0xaf: {  	[dreg:$0x3] =	wrdreg s24  }
0xb0: {  	[dreg:$0x4] =	wrdreg $0x29000  }
0xb1: {  	[dreg:$0x5] =	wrdreg $0x9  }
0xb2: {  	_ =	task.clear_ibuf [dreg:s7], $0x6FFFF;
	_ =	strace $0x9000004C  }
0xb3: {  	s29 =	simm.s32 $0x9;
	_ =	strace $0x8000004E  }
0xb4: {  	_ =	swait.ge [sflag:s29], $0x1  }
0xb5: {  	[sflag:s29] =	ssyncadd.s32 $0xFFFFFFFF  }
0xb6: {  	_ =	strace $0x9000004E  }
0xb7: {  	_ =	sfence  }
0xb8: {  	s30 =	sld [smem:$0x0];
	_ =	sdelay $0x2  }
0xb9: {  	s31 =	sshll.u32 s1, $0xD;
	s1 =	sshrl.u32 s1, $0x2  }
0xba: {  	s3 =	sand.u32 $0x4000, s31;
	s1 =	sadd.s32 s1, s30  }
0xbb: {  	s0 =	sor.u32 s3, s0;
	s1 =	sshll.u32 s1, $0x11  }
0xbc: {  	s0 =	sor.u32 s1, s0  }
0xbd: {  	s0 =	sadd.s32 $0x8F2B, s0  }
0xbe: {  	[sflag:s0] =	ssyncadd.remote.s32 $0x1  }
0xbf: {  	_ =	sfence.sel $0xFFFF  }
0xc0: {  	[dreg:$0x0] =	wrdreg $0xFFFFFFFF;
	(pc) =	sbr.abs _section_cstart, $3  }
0xc1: {  	[dreg:$0x1] =	wrdreg $0xFFFFFFFF  }
0xc2: {  	_ =	task.clear_ibuf [dreg:s7], $0x2FFFF;
	_ =	strace $0x9FFFFFFF  }
0xc3: {  	(tm) =	ssettm $0x7FFFFFFF  }
tec
execute0_lowered:
.L_overlay_start_1:
0x0: {  	(tag) =	ssettag $0x1  }
0x1: {  	s1 =	rddreg [dreg:$0x0]  }
0x2: {  	s0 =	srdreg.scid;
	s2 =	rddreg [dreg:$0x1]  }
0x3: {  	s25 =	stileid.u32;
	s3 =	rddreg [dreg:$0x2]  }
0x4: {  	s4 =	simm.s32 $0x0;
	s28 =	simm.s32 $0x80;
	s29 =	simm.s32 $0x50  }
0x5: {  	s30 =	simm.s32 $0x1;
	s31 =	simm.s32 $0x0;
	s6 =	smul.u32 $0x2710, s25  }
0x6: {  	s0 =	sand.u32 $0x1, s0;
	[smem:$0x7FF] =	sst s4;
	s19 =	smul.u32 $0x4E000, s25  }
0x7: {  	s20 =	sadd.s32 $0x16400, s2;
	p0 =	sne.s32 s25, $0xF;
	s5 =	smul.u32 $0x27100, s0  }
0x8: {  	_ =	strace $0x8000004D;
	s7 =	smul.u32 $0x138800, s0;
	s0 =	ssub.s32 $0x2, s0  }
0x9: {  	[dreg:$0x4] =	wrdreg s20;
	s8 =	sshrl.u32 s0, $0x1;
	s22 =	sshrl.u32 s19, $0x2  }
0xa: {  	s5 =	sadd.s32 s6, s5;
	s9 =	ssub.s32 s0, s8;
	s21 =	sshrl.u32 s7, $0x3  }
0xb: {  	s6 =	sadd.s32 $0x138000, s3;
	s0 =	sadd.s32 s22, s3;
	s5 =	sshrl.u32 s5, $0x3  }
0xc: {  	s26 =	smax.u32 s9, $0x1;
	s11 =	sadd.s32 $0x3000, s0;
	s12 =	sadd.s32 $0x4800, s0  }
0xd: {  	s13 =	sadd.s32 $0x6000, s0;
	s14 =	sadd.s32 $0x7800, s0;
	s15 =	sadd.s32 $0x9000, s0  }
0xe: {  	s16 =	sadd.s32 $0xA800, s0;
	s17 =	sadd.s32 $0xC000, s0;
	s18 =	sadd.s32 $0xD800, s0  }
0xf: {  	s19 =	sadd.s32 $0xF000, s0;
	s23 =	sadd.s32 s5, s2;
	s2 =	sadd.s32 $0x16800, s2  }
0x10: {  	s20 =	sadd.s32 $0x10800, s0;
	s10 =	sadd.s32 s2, s21;
	s21 =	smul.u32 $0x13800, s25  }
0x11: {  	[dreg:$0x6] =	wrdreg s26;
	s26 =	simm.s32 $0x2;
	s22 =	sadd.s32 $0x2800, s23  }
0x12: {  	s23 =	sadd.s32 $0xC600, s23;
	s25 =	simm.s32 $0x100;
	s7 =	sadd.s32 s21, s7  }
0x13: {  	s24 =	sadd.s32 $0x27000, s10;
	s10 =	sadd.s32 $0x1800, s0;
	s7 =	sshrl.u32 s7, $0x3  }
0x14: {  	[dreg:$0x5] =	wrdreg s24;
	s21 =	sadd.s32 $0x12000, s0;
	s24 =	sadd.s32 s7, s2  }
.LBB2_1:
0x15: {  	s2 =	rddreg [dreg:$0x4]  }
0x16: {  	[tilespmem:s25], [sflag:$0x2] =	stream.linear.gather [hbm4b:s2+s4], $0x1800, $0x38;
	[tilespmem:$0x16180] =	vst v63  }
0x17: {  	_ =	swait.ge [sflag:s26], $0x1800  }
0x18: {  	[sflag:s26] =	ssyncset.done $0x0  }
0x19: {  	[sflag:s26] =	ssyncadd.s32 $0xFFFFE800  }
0x1a: {  	[spmem:s0] =	stream.linear.scatter [tilespmem:s25], [sflag:$0x2], $0x1800, $0x38;
	[tilespmem:$0x16180] =	vst v63  }
0x1b: {  	_ =	swait.ge [sflag:s26], $0x1800  }
0x1c: {  	[sflag:s26] =	ssyncset.done $0x0  }
0x1d: {  	[sflag:s26] =	ssyncadd.s32 $0xFFFFE800  }
0x1e: {  	[spmem:s10] =	stream.linear.scatter [tilespmem:s25], [sflag:$0x2], $0x1800, $0x38;
	[tilespmem:$0x16180] =	vst v63  }
0x1f: {  	_ =	swait.ge [sflag:s26], $0x1800  }
0x20: {  	[sflag:s26] =	ssyncset.done $0x0  }
0x21: {  	[sflag:s26] =	ssyncadd.s32 $0xFFFFE800  }
0x22: {  	[spmem:s11] =	stream.linear.scatter [tilespmem:s25], [sflag:$0x2], $0x1800, $0x38;
	[tilespmem:$0x16180] =	vst v63  }
0x23: {  	_ =	swait.ge [sflag:s26], $0x1800  }
0x24: {  	[sflag:s26] =	ssyncset.done $0x0  }
0x25: {  	[sflag:s26] =	ssyncadd.s32 $0xFFFFE800  }
0x26: {  	[spmem:s12] =	stream.linear.scatter [tilespmem:s25], [sflag:$0x2], $0x1800, $0x38;
	[tilespmem:$0x16180] =	vst v63  }
0x27: {  	_ =	swait.ge [sflag:s26], $0x1800  }
0x28: {  	[sflag:s26] =	ssyncset.done $0x0  }
0x29: {  	[sflag:s26] =	ssyncadd.s32 $0xFFFFE800  }
0x2a: {  	[spmem:s13] =	stream.linear.scatter [tilespmem:s25], [sflag:$0x2], $0x1800, $0x38;
	[tilespmem:$0x16180] =	vst v63  }
0x2b: {  	_ =	swait.ge [sflag:s26], $0x1800  }
0x2c: {  	[sflag:s26] =	ssyncset.done $0x0  }
0x2d: {  	[sflag:s26] =	ssyncadd.s32 $0xFFFFE800  }
0x2e: {  	[spmem:s14] =	stream.linear.scatter [tilespmem:s25], [sflag:$0x2], $0x1800, $0x38;
	[tilespmem:$0x16180] =	vst v63  }
0x2f: {  	_ =	swait.ge [sflag:s26], $0x1800  }
0x30: {  	[sflag:s26] =	ssyncset.done $0x0  }
0x31: {  	[sflag:s26] =	ssyncadd.s32 $0xFFFFE800  }
0x32: {  	[spmem:s15] =	stream.linear.scatter [tilespmem:s25], [sflag:$0x2], $0x1800, $0x38;
	[tilespmem:$0x16180] =	vst v63  }
0x33: {  	_ =	swait.ge [sflag:s26], $0x1800  }
0x34: {  	[sflag:s26] =	ssyncset.done $0x0  }
0x35: {  	[sflag:s26] =	ssyncadd.s32 $0xFFFFE800  }
0x36: {  	[spmem:s16] =	stream.linear.scatter [tilespmem:s25], [sflag:$0x2], $0x1800, $0x38;
	[tilespmem:$0x16180] =	vst v63  }
0x37: {  	_ =	swait.ge [sflag:s26], $0x1800  }
0x38: {  	[sflag:s26] =	ssyncset.done $0x0  }
0x39: {  	[sflag:s26] =	ssyncadd.s32 $0xFFFFE800  }
0x3a: {  	[spmem:s17] =	stream.linear.scatter [tilespmem:s25], [sflag:$0x2], $0x1800, $0x38;
	[tilespmem:$0x16180] =	vst v63  }
0x3b: {  	_ =	swait.ge [sflag:s26], $0x1800  }
0x3c: {  	[sflag:s26] =	ssyncset.done $0x0  }
0x3d: {  	[sflag:s26] =	ssyncadd.s32 $0xFFFFE800  }
0x3e: {  	[spmem:s18] =	stream.linear.scatter [tilespmem:s25], [sflag:$0x2], $0x1800, $0x38;
	[tilespmem:$0x16180] =	vst v63  }
0x3f: {  	_ =	swait.ge [sflag:s26], $0x1800  }
0x40: {  	[sflag:s26] =	ssyncset.done $0x0  }
0x41: {  	[sflag:s26] =	ssyncadd.s32 $0xFFFFE800  }
0x42: {  	[spmem:s19] =	stream.linear.scatter [tilespmem:s25], [sflag:$0x2], $0x1800, $0x38;
	[tilespmem:$0x16180] =	vst v63  }
0x43: {  	_ =	swait.ge [sflag:s26], $0x1800  }
0x44: {  	[sflag:s26] =	ssyncset.done $0x0  }
0x45: {  	[sflag:s26] =	ssyncadd.s32 $0xFFFFE800  }
0x46: {  	[spmem:s20] =	stream.linear.scatter [tilespmem:s25], [sflag:$0x2], $0x1800, $0x38;
	[tilespmem:$0x16180] =	vst v63  }
0x47: {  	_ =	swait.ge [sflag:s26], $0x1800  }
0x48: {  	[sflag:s26] =	ssyncset.done $0x0  }
0x49: {  	[sflag:s26] =	ssyncadd.s32 $0xFFFFE800  }
0x4a: {  	[spmem:s21] =	stream.linear.scatter [tilespmem:s25], [sflag:$0x2], $0x1800, $0x38;
	[tilespmem:$0x16180] =	vst v63  }
0x4b: {  	_ =	swait.ge [sflag:s26], $0x1800  }
0x4c: {  	[sflag:s26] =	ssyncset.done $0x0  }
0x4d: {  	s2 =	simm.s32 @!p0 $0x100;
	[sflag:s26] =	ssyncadd.s32 $0xFFFFE800  }
0x4e: {  	[spmem:s6] =	stream.linear.scatter @!p0 [tilespmem:s2], [sflag:$0x2], $0x800, $0x38;
	[tilespmem:$0x16180] =	vst v63  }
0x4f: {  	s2 =	simm.s32 @!p0 $0x2  }
0x50: {  	_ =	swait.ge @!p0 [sflag:s2], $0x800  }
0x51: {  	[sflag:s2] =	ssyncset.done @!p0 $0x0  }
0x52: {  	[sflag:s2] =	ssyncadd.s32 @!p0 $0xFFFFF800  }
0x53: {  	s8 =	sadd.s32 $0x0, s23;
	[bflag:$0x0] =	sbarrier.arrive $0xFFFF  }
0x54: {  	[tilespmem:s4], [sflag:$0x2] =	stream.linear.gather [hbm4b:s8+s4], $0x50, $0x38;
	[tilespmem:$0x16180] =	vst v63  }
0x55: {  	_ =	swait.ge [sflag:s26], $0x50  }
0x56: {  	[sflag:s26] =	ssyncset.done $0x0  }
0x57: {  	s9 =	sadd.s32 $0x0, s22;
	[sflag:s26] =	ssyncadd.s32 $0xFFFFFFB0  }
0x58: {  	[tilespmem:s28], [sflag:$0x2] =	stream.linear.gather [hbm4b:s9+s4], $0x50, $0x38;
	[tilespmem:$0x16180] =	vst v63  }
0x59: {  	_ =	swait.ge [sflag:s26], $0x50  }
0x5a: {  	[sflag:s26] =	ssyncset.done $0x0  }
0x5b: {  	[sflag:s26] =	ssyncadd.s32 $0xFFFFFFB0  }
0x5c: {  	[tilespmem:s25], [sflag:$0x1] =	stream.indirect.gather [hbm4b:s1+s29], $0x80, s4, s29, $0xb8;
	[tilespmem:$0x16180] =	vst v63  }
0x5d: {  	_ =	swait.ge [sflag:s30], $0x2800  }
0x5e: {  	[sflag:s30] =	ssyncset.done $0x0  }
0x5f: {  	[sflag:s30] =	ssyncadd.s32 $0xFFFFD800  }
0x60: {  	[spmem:s3] =	stream.indirect.scatter.add.f32 [tilespmem:s25], [sflag:$0x2], $0x80, s28, s29, $0xb8;
	[tilespmem:$0x16180] =	vst v63  }
0x61: {  	_ =	swait.ge [sflag:s26], $0x2800  }
0x62: {  	s7 =	simm.s32 $0x14;
	s2 =	simm.s32 $0xA;
	[sflag:s26] =	ssyncset.done $0x0  }
.LBB2_2:
0x63: {  	s5 =	sadd.s32 s2, s23  }
0x64: {  	[sflag:s26] =	ssyncadd.s32 $0xFFFFD800;
	s8 =	smov.u32 s7;
	s9 =	sadd.s32 $0xA, s7  }
0x65: {  	[tilespmem:s4], [sflag:$0x2] =	stream.linear.gather [hbm4b:s5+s4], $0x50, $0x38;
	[tilespmem:$0x16180] =	vst v63  }
0x66: {  	p1 =	sne.s32 s7, $0x4D8;
	_ =	swait.ge [sflag:s26], $0x50  }
0x67: {  	[sflag:s26] =	ssyncset.done $0x0  }
0x68: {  	s5 =	sadd.s32 s2, s22;
	s2 =	smov.u32 s8;
	[sflag:s26] =	ssyncadd.s32 $0xFFFFFFB0  }
0x69: {  	[tilespmem:s28], [sflag:$0x2] =	stream.linear.gather [hbm4b:s5+s4], $0x50, $0x38;
	[tilespmem:$0x16180] =	vst v63  }
0x6a: {  	_ =	swait.ge [sflag:s26], $0x50  }
0x6b: {  	[sflag:s26] =	ssyncset.done $0x0  }
0x6c: {  	[sflag:s26] =	ssyncadd.s32 $0xFFFFFFB0  }
0x6d: {  	[tilespmem:s25], [sflag:$0x1] =	stream.indirect.gather [hbm4b:s1+s29], $0x80, s4, s29, $0xb8;
	[tilespmem:$0x16180] =	vst v63  }
0x6e: {  	_ =	swait.ge [sflag:s30], $0x2800  }
.Ltmp0:
0x6f: {  	[sflag:s30] =	ssyncset.done $0x0;
	(pc) =	sbr.rel @p1 .LBB2_2-.Ltmp0, $4  }
0x70: {  	[sflag:s30] =	ssyncadd.s32 $0xFFFFD800  }
0x71: {  	[spmem:s3] =	stream.indirect.scatter.add.f32 [tilespmem:s25], [sflag:$0x2], $0x80, s28, s29, $0xb8;
	[tilespmem:$0x16180] =	vst v63  }
0x72: {  	_ =	swait.ge [sflag:s26], $0x2800  }
0x73: {  	s7 =	smov.u32 s9;
	[sflag:s26] =	ssyncset.done $0x0  }
0x74: {  	s5 =	sadd.s32 s2, s23;
	[sflag:s26] =	ssyncadd.s32 $0xFFFFD800  }
0x75: {  	[tilespmem:s4], [sflag:$0x2] =	stream.linear.gather [hbm4b:s5+s4], $0x50, $0x38;
	[tilespmem:$0x16180] =	vst v63  }
0x76: {  	_ =	swait.ge [sflag:s26], $0x50  }
0x77: {  	[sflag:s26] =	ssyncset.done $0x0  }
0x78: {  	s8 =	sadd.s32 s2, s22;
	[sflag:s26] =	ssyncadd.s32 $0xFFFFFFB0  }
0x79: {  	[tilespmem:s28], [sflag:$0x2] =	stream.linear.gather [hbm4b:s8+s4], $0x50, $0x38;
	[tilespmem:$0x16180] =	vst v63  }
0x7a: {  	_ =	swait.ge [sflag:s26], $0x50  }
0x7b: {  	[sflag:s26] =	ssyncset.done $0x0  }
0x7c: {  	[sflag:s26] =	ssyncadd.s32 $0xFFFFFFB0  }
0x7d: {  	[tilespmem:s25], [sflag:$0x1] =	stream.indirect.gather [hbm4b:s1+s29], $0x80, s4, s29, $0xb8;
	[tilespmem:$0x16180] =	vst v63  }
0x7e: {  	_ =	swait.ge [sflag:s30], $0x2800  }
0x7f: {  	[sflag:s30] =	ssyncset.done $0x0  }
0x80: {  	[sflag:s30] =	ssyncadd.s32 $0xFFFFD800  }
0x81: {  	[spmem:s3] =	stream.indirect.scatter.add.f32 [tilespmem:s25], [sflag:$0x2], $0x80, s28, s29, $0xb8;
	[tilespmem:$0x16180] =	vst v63  }
0x82: {  	_ =	swait.ge [sflag:s26], $0x2800  }
0x83: {  	[sflag:s26] =	ssyncset.done $0x0  }
0x84: {  	[sflag:s26] =	ssyncadd.s32 $0xFFFFD800  }
0x85: {  	[bflag:$0x0] =	sbarrier.arrive $0xFFFF  }
0x86: {  	[tilespmem:s25], [sflag:$0x2] =	stream.linear.gather [spmem:s0], $0x1800, $0x38;
	[tilespmem:$0x16180] =	vst v63  }
0x87: {  	_ =	swait.ge [sflag:s26], $0x1800  }
0x88: {  	[sflag:s26] =	ssyncset.done $0x0  }
0x89: {  	s9 =	sadd.s32 $0x0, s24;
	[sflag:s26] =	ssyncadd.s32 $0xFFFFE800  }
0x8a: {  	[hbm4b:s9+s4] =	stream.linear.scatter [tilespmem:s25], [sflag:$0x2], $0x1800, $0x38;
	[tilespmem:$0x16180] =	vst v63  }
0x8b: {  	_ =	swait.ge [sflag:s26], $0x1800  }
0x8c: {  	s2 =	simm.s32 $0x300;
	s7 =	smov.u32 s0;
	[sflag:s26] =	ssyncset.done $0x0  }
.LBB2_4:
0x8d: {  	p1 =	sne.s32 s2, $0x2400;
	[sflag:s26] =	ssyncadd.s32 $0xFFFFE800;
	s7 =	sadd.s32 $0x1800, s7  }
0x8e: {  	[tilespmem:s25], [sflag:$0x2] =	stream.linear.gather [spmem:s7], $0x1800, $0x38;
	[tilespmem:$0x16180] =	vst v63  }
0x8f: {  	s5 =	smov.u32 s2;
	s2 =	sadd.s32 $0x300, s2;
	_ =	swait.ge [sflag:s26], $0x1800  }
.Ltmp1:
0x90: {  	[sflag:s26] =	ssyncset.done $0x0;
	(pc) =	sbr.rel @p1 .LBB2_4-.Ltmp1, $4  }
0x91: {  	s5 =	sadd.s32 s5, s24;
	[sflag:s26] =	ssyncadd.s32 $0xFFFFE800  }
0x92: {  	[hbm4b:s5+s4] =	stream.linear.scatter [tilespmem:s25], [sflag:$0x2], $0x1800, $0x38;
	[tilespmem:$0x16180] =	vst v63  }
0x93: {  	_ =	swait.ge [sflag:s26], $0x1800  }
0x94: {  	[sflag:s26] =	ssyncset.done $0x0  }
0x95: {  	[sflag:s26] =	ssyncadd.s32 $0xFFFFE800;
	s2 =	simm.s32 @!p0 $0x100;
	s5 =	simm.s32 @!p0 $0x2  }
0x96: {  	[tilespmem:s2], [sflag:$0x2] =	stream.linear.gather @!p0 [spmem:s6], $0x800, $0x38;
	[tilespmem:$0x16180] =	vst v63  }
0x97: {  	_ =	swait.ge @!p0 [sflag:s5], $0x800  }
0x98: {  	[sflag:s5] =	ssyncset.done @!p0 $0x0  }
0x99: {  	s7 =	simm.s32 @!p0 $0x0;
	s8 =	rddreg [dreg:$0x5];
	[sflag:s5] =	ssyncadd.s32 @!p0 $0xFFFFF800  }
0x9a: {  	[hbm4b:s8+s7] =	stream.linear.scatter @!p0 [tilespmem:s2], [sflag:$0x2], $0x800, $0x38;
	[tilespmem:$0x16180] =	vst v63  }
0x9b: {  	_ =	swait.ge @!p0 [sflag:s5], $0x800  }
0x9c: {  	s31 =	sadd.s32 $0x1, s31;
	s9 =	rddreg [dreg:$0x6]  }
0x9d: {  	p1 =	sne.s32 s31, s9  }
.Ltmp2:
0x9e: {  	_ = 	snop;
	(pc) =	sbr.rel @p1 .LBB2_1-.Ltmp2, $3  }
0x9f: {  	_ =	sdelay $0x1  }
0xa0: {  	[sflag:s5] =	ssyncset.done @!p0 $0x0  }
0xa1: {  	[sflag:s5] =	ssyncadd.s32 @!p0 $0xFFFFF800  }
0xa2: {  	_ =	sfence.sel $0x180000  }
0xa3: {  	[bflag:$0x0] =	sbarrier.arrive $0xFFFF  }
0xa4: {  	_ =	strace $0x9000004D  }
0xa5: {  	s0 =	stileid.u32;
	[bflag:$0x2] =	sbarrier.arrive $0xFFFF  }
0xa6: {  	p0 =	sne.s32 s0, $0x0;
	s0 =	rddreg [dreg:$0x3]  }
0xa7: {  	s0 =	sadd.s32 @!p0 $0x100000, s0  }
0xa8: {  	[sflag:s0] =	ssyncadd.tile.s32 @!p0 $0x1;
	_ =	shalt  }
.Lfunc_end2:
_tile_overlayer_lowered:
.L_overlay_start_2:
0xa9: {  	(tag) =	ssettag $0x2  }
0xaa: {  	s0 =	rddreg [dreg:$0x0];
	s2 =	stileid.u32  }
0xab: {  	s1 =	rddreg [dreg:$0x1];
	p0 =	sne.s32 s2, $0x0  }
0xac: {  	s3 =	rddreg [dreg:$0x2];
	[bflag:$0x3] =	sbarrier.arrive $0xFFFF;
	s2 =	simm.s32 @!p0 $0x1C02  }
0xad: {  	[timem:s3], [sflag:s2] =	dma.local @!p0 [hbm:s0], s1  }
0xae: {  	s0 =	simm.s32 @!p0 $0x2  }
0xaf: {  	_ =	swait.ge @!p0 [sflag:s0], s1  }
0xb0: {  	s1 =	ssub.s32 @!p0 $0x0, s1;
	[sflag:s0] =	ssyncset.done @!p0 $0x0  }
0xb1: {  	[sflag:s0] =	ssyncadd.s32 @!p0 s1  }
0xb2: {  	[bflag:$0x3] =	sbarrier.arrive $0xFFFF  }
0xb3: {  	_ =	shalt  }

// kernel: kernel.7.cloned.1.call-start
scs
__scs_entry_jumppad:
0x0: {  	(pc) =	sbr.rel $0x88, $3  }
0x1: {  	(tag) =	ssettag $0x0;
	lr =	simm.s32 $0x1  }
0x2: {  	[smem:$0x3F95] =	sst lr;
	_ =	strace $0xD0000000  }
0x3: {  	_ = 	snop  }
0x4: {  	_ = 	snop  }
0x5: {  	_ = 	snop  }
0x6: {  	_ = 	snop  }
0x7: {  	_ = 	snop  }
__scs_overlays_trampoline_lowered:
0x8: {  	[smem:$0x3FA4] =	sst s0  }
0x9: {  	[smem:$0x3FA5] =	sst s1  }
0xa: {  	[smem:$0x3FA6] =	sst s2  }
0xb: {  	[smem:$0x3FA7] =	sst s3  }
0xc: {  	[smem:$0x3FA8] =	sst s4  }
0xd: {  	[smem:$0x3FA9] =	sst s5  }
0xe: {  	[smem:$0x3FAA] =	sst s6  }
0xf: {  	[smem:$0x3FAB] =	sst s7  }
0x10: {  	[smem:$0x3FAC] =	sst s8  }
0x11: {  	[smem:$0x3FAD] =	sst s9;
	s0 =	simm.s32 @!p0 $0x0  }
0x12: {  	s1 =	sld [smem:$0x3F93];
	s0 =	simm.s32 @p0 $0x1  }
0x13: {  	[smem:$0x3FAE] =	sst s0;
	s0 =	simm.s32 @!p1 $0x0  }
0x14: {  	s2 =	sld [smem:$0x3F92];
	s0 =	simm.s32 @p1 $0x1  }
0x15: {  	[smem:$0x3FAF] =	sst s0;
	s0 =	simm.s32 @!p2 $0x0  }
0x16: {  	s3 =	sld [smem:$0x3FDB];
	s0 =	simm.s32 @p2 $0x1  }
0x17: {  	s4 =	simm.s32 $0x1BF5;
	[smem:$0x3FB1] =	sst s0  }
0x18: {  	s0 =	sld [smem:$0x3F94];
	_ =	swait.ge [sflag:s4], $0x0  }
0x19: {  	s7 =	sld [smem:$0x3F95]  }
0x1a: {  	s8 =	sadd.s32 $0xFFFFE003, lr  }
0x1b: {  	s9 =	sadd.s32 $0xFFFFFEF7, lr;
	s5 =	simm.s32 $0xFFFFFFFF;
	p2 =	slt.u32 s8, $0xFFFFF086  }
0x1c: {  	p1 =	slt.u32 s9, $0xF7A;
	s5 =	simm.s32 @!p2 $0x0  }
0x1d: {  	s5 =	simm.s32 @p1 $0x1;
	p0 =	seq.s32 s7, s2  }
0x1e: {  	s7 =	smul.u32 @!p0 $0xF7A, s2;
	p2 =	seq.s32 @!p0 s5, $0x0  }
0x1f: {  	s9 =	smul.u32 $0xF7A, s1;
	s8 =	simm.s32 @!p0 $0x1BF5;
	p2 =	por !p2, p0  }
0x20: {  	[sflag:s8] =	ssyncset.s32 @!p0 $0xFFFFF086;
	s6 =	sadd.s32 @!p0 s3, s7;
	s7 =	simm.s32 @!p0 $0x108  }
0x21: {  	s3 =	sadd.s32 s3, s9;
	s6 =	sadd.s32 @!p0 $0x88, s6;
	s7 =	simm.s32 @p2 $0x1082  }
0x22: {  	[simem:s7], [sflag:s8] =	dma.local @!p0 [hbm:s6], $0xF7A  }
0x23: {  	s9 =	sor.u32 $0xD0000000, s2;
	s6 =	simm.s32 $0x108;
	_ =	swait.ge @!p0 [sflag:s8], $0x0  }
0x24: {  	s3 =	sadd.s32 $0x88, s3;
	s6 =	simm.s32 @!p1 $0x1082;
	[sflag:s4] =	ssyncset.s32 $0xFFFFF086  }
0x25: {  	[simem:s6], [sflag:s4] =	dma.local [hbm:s3], $0xF7A  }
0x26: {  	[smem:$0x3F95] =	sst s1;
	(tag) =	ssettag s2;
	_ =	strace s9  }
0x27: {  	s1 =	sld [smem:$0x3FA5]  }
0x28: {  	s2 =	sld [smem:$0x3FA6]  }
0x29: {  	s4 =	sld [smem:$0x3FA8]  }
0x2a: {  	p0 =	seq.s32 s5, $0x0;
	s5 =	sld [smem:$0x3FA9]  }
0x2b: {  	s6 =	sld [smem:$0x3FAA]  }
0x2c: {  	s7 =	sld [smem:$0x3FAB]  }
0x2d: {  	s3 =	simm.s32 $0x108;
	s8 =	sld [smem:$0x3FAC]  }
0x2e: {  	s3 =	simm.s32 @!p0 $0x1082;
	s9 =	sld [smem:$0x3FAD]  }
0x2f: {  	lr =	sadd.s32 s0, s3;
	s0 =	sld [smem:$0x3FA4]  }
0x30: {  	s3 =	sld [smem:$0x3FA7]  }
0x31: {  	[smem:$0x3FB0] =	sst s10  }
0x32: {  	s10 =	sld [smem:$0x3FAE];
	_ =	sdelay $0x3  }
0x33: {  	p0 =	seq.s32 s10, $0x1;
	s10 =	sld [smem:$0x3FB0];
	_ =	sdelay $0x3  }
0x34: {  	[smem:$0x3FB0] =	sst s10  }
0x35: {  	s10 =	sld [smem:$0x3FAF];
	_ =	sdelay $0x3  }
0x36: {  	p1 =	seq.s32 s10, $0x1;
	s10 =	sld [smem:$0x3FB0];
	_ =	sdelay $0x3  }
0x37: {  	[smem:$0x3FB0] =	sst s10  }
0x38: {  	s10 =	sld [smem:$0x3FB1]  }
0x39: {  	_ = 	snop;
	(pc) =	sbr.ind lr, $3  }
0x3a: {  	_ = 	snop  }
0x3b: {  	_ = 	snop  }
0x3c: {  	p2 =	seq.s32 s10, $0x1;
	s10 =	sld [smem:$0x3FB0]  }
0x3d: {  	_ =	shalt  }
0x3e: {  	_ =	shalt  }
0x3f: {  	_ =	shalt  }
0x40: {  	_ =	shalt  }
0x41: {  	_ =	shalt  }
0x42: {  	_ =	shalt  }
0x43: {  	_ =	shalt  }
0x44: {  	_ =	shalt  }
0x45: {  	_ =	shalt  }
0x46: {  	_ =	shalt  }
0x47: {  	_ =	shalt  }
0x48: {  	_ =	shalt  }
0x49: {  	_ =	shalt  }
0x4a: {  	_ =	shalt  }
0x4b: {  	_ =	shalt  }
0x4c: {  	_ =	shalt  }
0x4d: {  	_ =	shalt  }
0x4e: {  	_ =	shalt  }
0x4f: {  	_ =	shalt  }
0x50: {  	_ =	shalt  }
0x51: {  	_ =	shalt  }
0x52: {  	_ =	shalt  }
0x53: {  	_ =	shalt  }
0x54: {  	_ =	shalt  }
0x55: {  	_ =	shalt  }
0x56: {  	_ =	shalt  }
0x57: {  	_ =	shalt  }
0x58: {  	_ =	shalt  }
0x59: {  	_ =	shalt  }
0x5a: {  	_ =	shalt  }
0x5b: {  	_ =	shalt  }
0x5c: {  	_ =	shalt  }
0x5d: {  	_ =	shalt  }
0x5e: {  	_ =	shalt  }
0x5f: {  	_ =	shalt  }
0x60: {  	_ =	shalt  }
0x61: {  	_ =	shalt  }
0x62: {  	_ =	shalt  }
0x63: {  	_ =	shalt  }
0x64: {  	_ =	shalt  }
0x65: {  	_ =	shalt  }
0x66: {  	_ =	shalt  }
0x67: {  	_ =	shalt  }
0x68: {  	_ =	shalt  }
0x69: {  	_ =	shalt  }
0x6a: {  	_ =	shalt  }
0x6b: {  	_ =	shalt  }
0x6c: {  	_ =	shalt  }
0x6d: {  	_ =	shalt  }
0x6e: {  	_ =	shalt  }
0x6f: {  	_ =	shalt  }
0x70: {  	_ =	shalt  }
0x71: {  	_ =	shalt  }
0x72: {  	_ =	shalt  }
0x73: {  	_ =	shalt  }
0x74: {  	_ =	shalt  }
0x75: {  	_ =	shalt  }
0x76: {  	_ =	shalt  }
0x77: {  	_ =	shalt  }
0x78: {  	_ =	shalt  }
0x79: {  	_ =	shalt  }
0x7a: {  	_ =	shalt  }
0x7b: {  	_ =	shalt  }
0x7c: {  	_ =	shalt  }
0x7d: {  	_ =	shalt  }
0x7e: {  	_ =	shalt  }
0x7f: {  	_ =	shalt  }
0x80: {  	_ =	shalt  }
0x81: {  	_ =	shalt  }
0x82: {  	_ =	shalt  }
0x83: {  	_ =	shalt  }
0x84: {  	_ =	shalt  }
0x85: {  	_ =	shalt  }
0x86: {  	_ =	shalt  }
0x87: {  	_ =	shalt  }
.Lfunc_end0:
.L_simem_size_0:
called_computation_lowered:
.L_overlay_start_0:
0x88: {  	s2 =	sld [smem:$0x3FD9]  }
0x89: {  	s3 =	sld [smem:$0x3FFE];
	_ =	sdelay $0x1  }
0x8a: {  	s1 =	srdreg.scid  }
0x8b: {  	s0 =	sand.u32 $0x1, s1  }
0x8c: {  	s17 =	sshll.u32 s0, $0xA;
	s2 =	sadd.s32 s3, s2  }
0x8d: {  	s2 =	sadd.s32 s2, s17  }
0x8e: {  	[smem:$0x3FBC] =	sst s2  }
0x8f: {  	_ = 	snop  }
0x90: {  	s18 =	sld [smem:$0x3FD0];
	(tm) =	ssettm $0x1  }
0x91: {  	s19 =	sld [smem:$0x3FFB];
	_ =	sdelay $0x3  }
0x92: {  	_ =	strace s19  }
0x93: {  	s2 =	sld [smem:$0x3FFC];
	_ =	sdelay $0x3  }
0x94: {  	_ =	strace s2  }
0x95: {  	s2 =	sld [smem:$0x3FFD];
	_ =	sdelay $0x3  }
0x96: {  	_ =	strace s2  }
0x97: {  	_ =	strace $0x8FFFFFFF  }
0x98: {  	s20 =	sld [smem:$0x3FDB];
	_ =	sdelay $0x1  }
0x99: {  	s4 =	simm.s32 $_scs_section_size  }
0x9a: {  	s5 =	simm.s32 $_size__tile_overlayer_lowered;
	s6 =	simm.s32 $_tile_overlayer_lowered  }
0x9b: {  	s7 =	simm.s32 $0x1BFF;
	s21 =	sshll.u32 s6, $0x1;
	s4 =	sadd.s32 s4, s20  }
0x9c: {  	s22 =	simm.s32 $0x0;
	s5 =	sshll.u32 s5, $0x1;
	s6 =	sadd.s32 s21, s4  }
0x9d: {  	[timem:s22], [sflag:s7] =	dma.local [hbm:s6], s5  }
0x9e: {  	_ =	swait.ge [sflag:s7], s5  }
0x9f: {  	s5 =	ssub.s32 $0x0, s5;
	[sflag:s7] =	ssyncset.done $0x0  }
0xa0: {  	[sflag:s7] =	ssyncadd.s32 s5;
	_ =	sdelay $0x1  }
0xa1: {  	s23 =	simm.s32 $0x1B8B  }
0xa2: {  	_ =	swait.ge [sflag:s23], $0x1  }
0xa3: {  	[sflag:s23] =	ssyncset.done $0x0  }
0xa4: {  	[sflag:s23] =	ssyncadd.s32 $0xFFFFFFFF  }
0xa5: {  	s5 =	sld [smem:$0x0]  }
0xa6: {  	s6 =	sand.u32 $0xFFFFFFFE, s1  }
0xa7: {  	p0 =	sne.s32 s1, s6  }
0xa8: {  	s6 =	sshll.u32 @p0 s6, $0xE  }
0xa9: {  	s6 =	sadd.s32 @p0 $0x11B8D, s6;
	s7 =	sshll.u32 @p0 s5, $0x11  }
0xaa: {  	s6 =	sor.u32 @p0 s7, s6  }
0xab: {  	[sflag:s6] =	ssyncadd.remote.s32 @p0 $0x1;
	_ =	sdelay $0x1  }
0xac: {  	s6 =	simm.s32 @p0 $0x1B8D  }
0xad: {  	_ =	swait.eq @p0 [sflag:s6], $0x1  }
0xae: {  	[sflag:s6] =	ssyncadd.s32 @p0 $0xFFFFFFFF  }
0xaf: {  	s7 =	sshll.u32 @!p0 s1, $0xE  }
0xb0: {  	s7 =	sor.u32 @!p0 $0x4000, s7;
	s6 =	simm.s32 @!p0 $0x1B8D  }
0xb1: {  	s5 =	sshll.u32 @!p0 s5, $0x11;
	s7 =	sadd.s32 @!p0 $0x11B8D, s7;
	_ =	swait.eq @!p0 [sflag:s6], $0x1  }
0xb2: {  	s5 =	sor.u32 @!p0 s5, s7;
	[sflag:s6] =	ssyncadd.s32 @!p0 $0xFFFFFFFF  }
0xb3: {  	s25 =	simm.s32 $0x1B8E;
	s24 =	sld [smem:$0x3FFE];
	[sflag:s5] =	ssyncadd.remote.s32 @!p0 $0x1  }
0xb4: {  	s26 =	simm.s32 $execute0_lowered;
	[smem:$0x3FD2] =	sst s25  }
0xb5: {  	s6 =	sshll.u32 s26, $0x1;
	_ =	strace $0x80000049;
	[dreg:$0x1] =	wrdreg $0xFFFFFFFF  }
0xb6: {  	s28 =	simm.s32 $_size_execute0_lowered;
	s4 =	sadd.s32 s4, s6;
	[dreg:$0x0] =	wrdreg $0x0  }
0xb7: {  	s6 =	sshll.u32 s28, $0x1;
	[dreg:$0x2] =	wrdreg s4  }
0xb8: {  	[dreg:$0x3] =	wrdreg s6  }
0xb9: {  	[dreg:$0x4] =	wrdreg $0xC0  }
0xba: {  	_ =	task [dreg:s22], $0x5FFFF  }
0xbb: {  	[dreg:$0x1] =	wrdreg $0xFFFFFFFF  }
0xbc: {  	[dreg:$0x0] =	wrdreg $0x60  }
0xbd: {  	[dreg:$0x2] =	wrdreg s24  }
0xbe: {  	[dreg:$0x3] =	wrdreg s18  }
0xbf: {  	[dreg:$0x4] =	wrdreg $0x40800  }
0xc0: {  	[dreg:$0x5] =	wrdreg $0x9  }
0xc1: {  	_ =	task.clear_ibuf [dreg:s22], $0x6FFFF;
	_ =	strace $0x90000049  }
0xc2: {  	s29 =	simm.s32 $0x9;
	_ =	strace $0x8000004B  }
0xc3: {  	_ =	swait.ge [sflag:s29], $0x1  }
0xc4: {  	[sflag:s29] =	ssyncadd.s32 $0xFFFFFFFF  }
0xc5: {  	_ =	strace $0x9000004B  }
0xc6: {  	_ =	sfence  }
0xc7: {  	s30 =	sld [smem:$0x0];
	_ =	sdelay $0x2  }
0xc8: {  	s31 =	sshll.u32 s1, $0xD;
	s1 =	sshrl.u32 s1, $0x2  }
0xc9: {  	s4 =	sand.u32 $0x4000, s31;
	s1 =	sadd.s32 s1, s30  }
0xca: {  	s0 =	sor.u32 s4, s0;
	s1 =	sshll.u32 s1, $0x11  }
0xcb: {  	s0 =	sor.u32 s1, s0  }
0xcc: {  	s0 =	sadd.s32 $0x8F2B, s0  }
0xcd: {  	[sflag:s0] =	ssyncadd.remote.s32 $0x1  }
0xce: {  	_ =	sfence.sel $0xFFFF  }
0xcf: {  	[dreg:$0x0] =	wrdreg $0xFFFFFFFF;
	(pc) =	sbr.abs _section_cstart, $3  }
0xd0: {  	[dreg:$0x1] =	wrdreg $0xFFFFFFFF  }
0xd1: {  	_ =	task.clear_ibuf [dreg:s22], $0x2FFFF;
	_ =	strace $0x9FFFFFFF  }
0xd2: {  	(tm) =	ssettm $0x7FFFFFFF  }
0xd3: {  	_ =	shalt  }
tec
execute0_lowered:
.L_overlay_start_1:
0x0: {  	(tag) =	ssettag $0x1  }
0x1: {  	s0 =	srdreg.scid;
	s6 =	rddreg [dreg:$0x0]  }
0x2: {  	s25 =	stileid.u32;
	s2 =	rddreg [dreg:$0x1]  }
0x3: {  	s3 =	rddreg [dreg:$0x2];
	s8 =	smul.u32 $0x2710, s25  }
0x4: {  	s4 =	simm.s32 $0x0;
	s28 =	simm.s32 $0x50;
	s26 =	smul.u32 $0x4E000, s25  }
0x5: {  	s29 =	simm.s32 $0x0;
	s7 =	sand.u32 $0x1, s0;
	s20 =	smul.u32 $0x13800, s25  }
0x6: {  	[smem:$0x7FF] =	sst s4;
	s23 =	sadd.s32 $0x64A00, s6;
	s5 =	smul.u32 $0x27100, s7  }
0x7: {  	p0 =	sne.s32 s25, $0xF;
	s19 =	smul.u32 $0x138800, s7;
	s7 =	ssub.s32 $0x2, s7  }
0x8: {  	s25 =	simm.s32 $0x1;
	_ =	strace $0x8000004A;
	s30 =	sshrl.u32 s7, $0x1  }
0x9: {  	s5 =	sadd.s32 s8, s5;
	s9 =	sshrl.u32 s19, $0x3;
	s10 =	ssub.s32 s7, s30  }
0xa: {  	s8 =	sshrl.u32 s26, $0x2;
	s21 =	sadd.s32 s20, s19;
	s26 =	simm.s32 $0x80  }
0xb: {  	s5 =	sshrl.u32 s5, $0x3;
	s31 =	sadd.s32 s23, s9;
	s8 =	sadd.s32 s8, s3  }
0xc: {  	s9 =	smax.u32 s10, $0x1;
	s24 =	sshrl.u32 s21, $0x3;
	s22 =	sadd.s32 s5, s6  }
0xd: {  	s5 =	sadd.s32 $0x16400, s6;
	s6 =	sadd.s32 $0x138000, s3;
	s7 =	sadd.s32 $0x27000, s31  }
0xe: {  	s10 =	sadd.s32 $0x1800, s8;
	s11 =	sadd.s32 $0x3000, s8;
	s12 =	sadd.s32 $0x4800, s8  }
0xf: {  	s13 =	sadd.s32 $0x6000, s8;
	s14 =	sadd.s32 $0x7800, s8;
	s15 =	sadd.s32 $0x9000, s8  }
0x10: {  	s16 =	sadd.s32 $0xA800, s8;
	s17 =	sadd.s32 $0xC000, s8;
	s18 =	sadd.s32 $0xD800, s8  }
0x11: {  	s19 =	sadd.s32 $0xF000, s8;
	s20 =	sadd.s32 $0x10800, s8;
	s21 =	sadd.s32 $0x12000, s8  }
0x12: {  	s23 =	sadd.s32 s24, s23;
	s24 =	simm.s32 $0x2880;
	s22 =	sadd.s32 $0x2800, s22  }
.LBB2_1:
0x13: {  	[tilespmem:s24], [sflag:$0x1] =	stream.linear.gather [hbm4b:s5+s4], $0x1800, $0x38;
	[tilespmem:$0x17900] =	vst v63  }
0x14: {  	_ =	swait.ge [sflag:s25], $0x1800  }
0x15: {  	[sflag:s25] =	ssyncset.done $0x0  }
0x16: {  	[sflag:s25] =	ssyncadd.s32 $0xFFFFE800  }
0x17: {  	[spmem:s8] =	stream.linear.scatter [tilespmem:s24], [sflag:$0x1], $0x1800, $0x38;
	[tilespmem:$0x17900] =	vst v63  }
0x18: {  	_ =	swait.ge [sflag:s25], $0x1800  }
0x19: {  	[sflag:s25] =	ssyncset.done $0x0  }
0x1a: {  	[sflag:s25] =	ssyncadd.s32 $0xFFFFE800  }
0x1b: {  	[spmem:s10] =	stream.linear.scatter [tilespmem:s24], [sflag:$0x1], $0x1800, $0x38;
	[tilespmem:$0x17900] =	vst v63  }
0x1c: {  	_ =	swait.ge [sflag:s25], $0x1800  }
0x1d: {  	[sflag:s25] =	ssyncset.done $0x0  }
0x1e: {  	[sflag:s25] =	ssyncadd.s32 $0xFFFFE800  }
0x1f: {  	[spmem:s11] =	stream.linear.scatter [tilespmem:s24], [sflag:$0x1], $0x1800, $0x38;
	[tilespmem:$0x17900] =	vst v63  }
0x20: {  	_ =	swait.ge [sflag:s25], $0x1800  }
0x21: {  	[sflag:s25] =	ssyncset.done $0x0  }
0x22: {  	[sflag:s25] =	ssyncadd.s32 $0xFFFFE800  }
0x23: {  	[spmem:s12] =	stream.linear.scatter [tilespmem:s24], [sflag:$0x1], $0x1800, $0x38;
	[tilespmem:$0x17900] =	vst v63  }
0x24: {  	_ =	swait.ge [sflag:s25], $0x1800  }
0x25: {  	[sflag:s25] =	ssyncset.done $0x0  }
0x26: {  	[sflag:s25] =	ssyncadd.s32 $0xFFFFE800  }
0x27: {  	[spmem:s13] =	stream.linear.scatter [tilespmem:s24], [sflag:$0x1], $0x1800, $0x38;
	[tilespmem:$0x17900] =	vst v63  }
0x28: {  	_ =	swait.ge [sflag:s25], $0x1800  }
0x29: {  	[sflag:s25] =	ssyncset.done $0x0  }
0x2a: {  	[sflag:s25] =	ssyncadd.s32 $0xFFFFE800  }
0x2b: {  	[spmem:s14] =	stream.linear.scatter [tilespmem:s24], [sflag:$0x1], $0x1800, $0x38;
	[tilespmem:$0x17900] =	vst v63  }
0x2c: {  	_ =	swait.ge [sflag:s25], $0x1800  }
0x2d: {  	[sflag:s25] =	ssyncset.done $0x0  }
0x2e: {  	[sflag:s25] =	ssyncadd.s32 $0xFFFFE800  }
0x2f: {  	[spmem:s15] =	stream.linear.scatter [tilespmem:s24], [sflag:$0x1], $0x1800, $0x38;
	[tilespmem:$0x17900] =	vst v63  }
0x30: {  	_ =	swait.ge [sflag:s25], $0x1800  }
0x31: {  	[sflag:s25] =	ssyncset.done $0x0  }
0x32: {  	[sflag:s25] =	ssyncadd.s32 $0xFFFFE800  }
0x33: {  	[spmem:s16] =	stream.linear.scatter [tilespmem:s24], [sflag:$0x1], $0x1800, $0x38;
	[tilespmem:$0x17900] =	vst v63  }
0x34: {  	_ =	swait.ge [sflag:s25], $0x1800  }
0x35: {  	[sflag:s25] =	ssyncset.done $0x0  }
0x36: {  	[sflag:s25] =	ssyncadd.s32 $0xFFFFE800  }
0x37: {  	[spmem:s17] =	stream.linear.scatter [tilespmem:s24], [sflag:$0x1], $0x1800, $0x38;
	[tilespmem:$0x17900] =	vst v63  }
0x38: {  	_ =	swait.ge [sflag:s25], $0x1800  }
0x39: {  	[sflag:s25] =	ssyncset.done $0x0  }
0x3a: {  	[sflag:s25] =	ssyncadd.s32 $0xFFFFE800  }
0x3b: {  	[spmem:s18] =	stream.linear.scatter [tilespmem:s24], [sflag:$0x1], $0x1800, $0x38;
	[tilespmem:$0x17900] =	vst v63  }
0x3c: {  	_ =	swait.ge [sflag:s25], $0x1800  }
0x3d: {  	[sflag:s25] =	ssyncset.done $0x0  }
0x3e: {  	[sflag:s25] =	ssyncadd.s32 $0xFFFFE800  }
0x3f: {  	[spmem:s19] =	stream.linear.scatter [tilespmem:s24], [sflag:$0x1], $0x1800, $0x38;
	[tilespmem:$0x17900] =	vst v63  }
0x40: {  	_ =	swait.ge [sflag:s25], $0x1800  }
0x41: {  	[sflag:s25] =	ssyncset.done $0x0  }
0x42: {  	[sflag:s25] =	ssyncadd.s32 $0xFFFFE800  }
0x43: {  	[spmem:s20] =	stream.linear.scatter [tilespmem:s24], [sflag:$0x1], $0x1800, $0x38;
	[tilespmem:$0x17900] =	vst v63  }
0x44: {  	_ =	swait.ge [sflag:s25], $0x1800  }
0x45: {  	[sflag:s25] =	ssyncset.done $0x0  }
0x46: {  	[sflag:s25] =	ssyncadd.s32 $0xFFFFE800  }
0x47: {  	[spmem:s21] =	stream.linear.scatter [tilespmem:s24], [sflag:$0x1], $0x1800, $0x38;
	[tilespmem:$0x17900] =	vst v63  }
0x48: {  	_ =	swait.ge [sflag:s25], $0x1800  }
0x49: {  	[sflag:s25] =	ssyncset.done $0x0  }
0x4a: {  	s30 =	simm.s32 @!p0 $0x2880;
	[sflag:s25] =	ssyncadd.s32 $0xFFFFE800  }
0x4b: {  	[spmem:s6] =	stream.linear.scatter @!p0 [tilespmem:s30], [sflag:$0x1], $0x800, $0x38;
	[tilespmem:$0x17900] =	vst v63  }
0x4c: {  	s30 =	simm.s32 @!p0 $0x1  }
0x4d: {  	_ =	swait.ge @!p0 [sflag:s30], $0x800  }
0x4e: {  	[sflag:s30] =	ssyncset.done @!p0 $0x0  }
0x4f: {  	[sflag:s30] =	ssyncadd.s32 @!p0 $0xFFFFF800  }
0x50: {  	[tilespmem:s26], [sflag:$0x1] =	stream.linear.gather [hbm4b:s2+s4], $0x2800, $0x38;
	[tilespmem:$0x17900] =	vst v63  }
0x51: {  	_ =	swait.ge [sflag:s25], $0x2800  }
0x52: {  	[sflag:s25] =	ssyncset.done $0x0  }
0x53: {  	[sflag:s25] =	ssyncadd.s32 $0xFFFFD800  }
0x54: {  	s30 =	sadd.s32 $0x0, s22;
	[bflag:$0x0] =	sbarrier.arrive $0xFFFF  }
0x55: {  	[tilespmem:s4], [sflag:$0x1] =	stream.linear.gather [hbm4b:s30+s4], $0x50, $0x38;
	[tilespmem:$0x17900] =	vst v63  }
0x56: {  	_ =	swait.ge [sflag:s25], $0x50  }
0x57: {  	[sflag:s25] =	ssyncset.done $0x0  }
0x58: {  	[sflag:s25] =	ssyncadd.s32 $0xFFFFFFB0  }
0x59: {  	[spmem:s3] =	stream.indirect.scatter.add.f32 [tilespmem:s26], [sflag:$0x1], $0x80, s4, s28, $0xb8;
	[tilespmem:$0x17900] =	vst v63  }
0x5a: {  	_ =	swait.ge [sflag:s25], $0x2800  }
0x5b: {  	s31 =	simm.s32 $0x14;
	s30 =	simm.s32 $0xA;
	[sflag:s25] =	ssyncset.done $0x0  }
.LBB2_2:
0x5c: {  	s1 =	sadd.s32 s30, s22  }
0x5d: {  	[sflag:s25] =	ssyncadd.s32 $0xFFFFD800;
	s30 =	smov.u32 s31;
	s0 =	sadd.s32 $0xA, s31  }
0x5e: {  	[tilespmem:s4], [sflag:$0x1] =	stream.linear.gather [hbm4b:s1+s4], $0x50, $0x38;
	[tilespmem:$0x17900] =	vst v63  }
0x5f: {  	p1 =	sne.s32 s31, $0x4D8;
	_ =	swait.ge [sflag:s25], $0x50  }
.Ltmp0:
0x60: {  	[sflag:s25] =	ssyncset.done $0x0;
	(pc) =	sbr.rel @p1 .LBB2_2-.Ltmp0, $4  }
0x61: {  	[sflag:s25] =	ssyncadd.s32 $0xFFFFFFB0  }
0x62: {  	[spmem:s3] =	stream.indirect.scatter.add.f32 [tilespmem:s26], [sflag:$0x1], $0x80, s4, s28, $0xb8;
	[tilespmem:$0x17900] =	vst v63  }
0x63: {  	_ =	swait.ge [sflag:s25], $0x2800  }
0x64: {  	s31 =	smov.u32 s0;
	[sflag:s25] =	ssyncset.done $0x0  }
0x65: {  	s0 =	sadd.s32 s30, s22;
	[sflag:s25] =	ssyncadd.s32 $0xFFFFD800  }
0x66: {  	[tilespmem:s4], [sflag:$0x1] =	stream.linear.gather [hbm4b:s0+s4], $0x50, $0x38;
	[tilespmem:$0x17900] =	vst v63  }
0x67: {  	_ =	swait.ge [sflag:s25], $0x50  }
0x68: {  	[sflag:s25] =	ssyncset.done $0x0  }
0x69: {  	[sflag:s25] =	ssyncadd.s32 $0xFFFFFFB0  }
0x6a: {  	[spmem:s3] =	stream.indirect.scatter.add.f32 [tilespmem:s26], [sflag:$0x1], $0x80, s4, s28, $0xb8;
	[tilespmem:$0x17900] =	vst v63  }
0x6b: {  	_ =	swait.ge [sflag:s25], $0x2800  }
0x6c: {  	[sflag:s25] =	ssyncset.done $0x0  }
0x6d: {  	[sflag:s25] =	ssyncadd.s32 $0xFFFFD800  }
0x6e: {  	[bflag:$0x0] =	sbarrier.arrive $0xFFFF  }
0x6f: {  	[tilespmem:s24], [sflag:$0x1] =	stream.linear.gather [spmem:s8], $0x1800, $0x38;
	[tilespmem:$0x17900] =	vst v63  }
0x70: {  	_ =	swait.ge [sflag:s25], $0x1800  }
0x71: {  	[sflag:s25] =	ssyncset.done $0x0  }
0x72: {  	s1 =	sadd.s32 $0x0, s23;
	[sflag:s25] =	ssyncadd.s32 $0xFFFFE800  }
0x73: {  	[hbm4b:s1+s4] =	stream.linear.scatter [tilespmem:s24], [sflag:$0x1], $0x1800, $0x38;
	[tilespmem:$0x17900] =	vst v63  }
0x74: {  	_ =	swait.ge [sflag:s25], $0x1800  }
0x75: {  	s30 =	simm.s32 $0x300;
	s31 =	smov.u32 s8;
	[sflag:s25] =	ssyncset.done $0x0  }
.LBB2_4:
0x76: {  	p1 =	sne.s32 s30, $0x2400;
	[sflag:s25] =	ssyncadd.s32 $0xFFFFE800;
	s31 =	sadd.s32 $0x1800, s31  }
0x77: {  	[tilespmem:s24], [sflag:$0x1] =	stream.linear.gather [spmem:s31], $0x1800, $0x38;
	[tilespmem:$0x17900] =	vst v63  }
0x78: {  	s0 =	smov.u32 s30;
	s30 =	sadd.s32 $0x300, s30;
	_ =	swait.ge [sflag:s25], $0x1800  }
.Ltmp1:
0x79: {  	[sflag:s25] =	ssyncset.done $0x0;
	(pc) =	sbr.rel @p1 .LBB2_4-.Ltmp1, $4  }
0x7a: {  	s0 =	sadd.s32 s0, s23;
	[sflag:s25] =	ssyncadd.s32 $0xFFFFE800  }
0x7b: {  	[hbm4b:s0+s4] =	stream.linear.scatter [tilespmem:s24], [sflag:$0x1], $0x1800, $0x38;
	[tilespmem:$0x17900] =	vst v63  }
0x7c: {  	_ =	swait.ge [sflag:s25], $0x1800  }
0x7d: {  	[sflag:s25] =	ssyncset.done $0x0  }
0x7e: {  	[sflag:s25] =	ssyncadd.s32 $0xFFFFE800;
	s0 =	simm.s32 @!p0 $0x2880;
	s1 =	simm.s32 @!p0 $0x1  }
0x7f: {  	[tilespmem:s0], [sflag:$0x1] =	stream.linear.gather @!p0 [spmem:s6], $0x800, $0x38;
	[tilespmem:$0x17900] =	vst v63  }
0x80: {  	s29 =	sadd.s32 $0x1, s29;
	_ =	swait.ge @!p0 [sflag:s1], $0x800  }
0x81: {  	p1 =	sne.s32 s29, s9;
	[sflag:s1] =	ssyncset.done @!p0 $0x0  }
.Ltmp2:
0x82: {  	s30 =	simm.s32 @!p0 $0x0;
	[sflag:s1] =	ssyncadd.s32 @!p0 $0xFFFFF800;
	(pc) =	sbr.rel @p1 .LBB2_1-.Ltmp2, $4  }
0x83: {  	[hbm4b:s7+s30] =	stream.linear.scatter @!p0 [tilespmem:s0], [sflag:$0x1], $0x800, $0x38;
	[tilespmem:$0x17900] =	vst v63  }
0x84: {  	_ =	swait.ge @!p0 [sflag:s1], $0x800  }
0x85: {  	[sflag:s1] =	ssyncset.done @!p0 $0x0  }
0x86: {  	[sflag:s1] =	ssyncadd.s32 @!p0 $0xFFFFF800  }
0x87: {  	_ =	sfence.sel $0x180000  }
0x88: {  	[bflag:$0x0] =	sbarrier.arrive $0xFFFF  }
0x89: {  	_ =	strace $0x9000004A  }
0x8a: {  	s0 =	stileid.u32;
	[bflag:$0x2] =	sbarrier.arrive $0xFFFF  }
0x8b: {  	p0 =	sne.s32 s0, $0x0;
	s0 =	rddreg [dreg:$0x3]  }
0x8c: {  	s0 =	sadd.s32 @!p0 $0x100000, s0  }
0x8d: {  	[sflag:s0] =	ssyncadd.tile.s32 @!p0 $0x1;
	_ =	shalt  }
.Lfunc_end2:
_tile_overlayer_lowered:
.L_overlay_start_2:
0x8e: {  	(tag) =	ssettag $0x2  }
0x8f: {  	s0 =	rddreg [dreg:$0x0];
	s2 =	stileid.u32  }
0x90: {  	s1 =	rddreg [dreg:$0x1];
	p0 =	sne.s32 s2, $0x0  }
0x91: {  	s3 =	rddreg [dreg:$0x2];
	[bflag:$0x3] =	sbarrier.arrive $0xFFFF;
	s2 =	simm.s32 @!p0 $0x1C01  }
0x92: {  	[timem:s3], [sflag:s2] =	dma.local @!p0 [hbm:s0], s1  }
0x93: {  	s0 =	simm.s32 @!p0 $0x1  }
0x94: {  	_ =	swait.ge @!p0 [sflag:s0], s1  }
0x95: {  	s1 =	ssub.s32 @!p0 $0x0, s1;
	[sflag:s0] =	ssyncset.done @!p0 $0x0  }
0x96: {  	[sflag:s0] =	ssyncadd.s32 @!p0 s1  }
0x97: {  	[bflag:$0x3] =	sbarrier.arrive $0xFFFF  }
0x98: {  	_ =	shalt  }

</sc_bundles>
